<compile_context>
chip_gen: v7x
topology: tpu7x:2x2x1
jax: 0.10.2.dev20260603
libtpu: 0.0.44.dev20260713+nightly
codegen_flags: <defaults>
</compile_context>

<pallas_src>
import functools

import jax
import jax.numpy as jnp
from jax import lax
from jax.experimental import pallas as pl
from jax.experimental.pallas import tpu as pltpu
from jax.experimental.pallas import tpu_sc as plsc

C = 1000
L = 50
B = 1024
RPT = 40
TPL = C // RPT
NTASK = TPL * L
NC = 2
NS = 16
NW = NC * NS
NPAIR = ((NTASK + NW - 1) // NW + 1) // 2

_mesh = plsc.VectorSubcoreMesh(core_axis_name="c", subcore_axis_name="s")


def _sc_body(xt_hbm, out_hbm, xcol0, xcol1, buf0, buf1, sem0, sem1):
    wid = lax.axis_index("s") * NC + lax.axis_index("c")
    iota = lax.broadcasted_iota(jnp.int32, (16,), 0)
    ones = jnp.full((16,), 1.0, jnp.float32)
    zeros = jnp.zeros((16,), jnp.float32)

    s = (wid * NTASK) // NW
    e = ((wid + 1) * NTASK) // NW

    def _zero(k, c):
        r = k // (B // 16)
        o = (k % (B // 16)) * 16
        buf0[r, pl.ds(o, 16)] = zeros
        buf1[r, pl.ds(o, 16)] = zeros
        return c

    lax.fori_loop(0, RPT * (B // 16), _zero, 0)

    def _scatter(buf, xcol, t, val):
        c0 = (t % TPL) * RPT

        def _chunk(k, c):
            xv = xcol[k // 8, pl.ds((k % 8) * 16, 16)]
            cl = xv - c0
            m = (cl >= 0) & (cl < RPT)
            cl = jnp.clip(cl, 0, RPT - 1)
            bidx = (k // 8) * 128 + (k % 8) * 16 + iota
            plsc.store_scatter(buf, [cl, bidx], val, mask=m)
            return c

        lax.fori_loop(0, B // 16, _chunk, 0)

    def _start(buf, t, sem):
        l = t // TPL
        c0 = pl.multiple_of((t % TPL) * RPT, RPT)
        pltpu.make_async_copy(buf, out_hbm.at[l, pl.ds(c0, RPT)], sem).start()

    def _wait(buf, sem):
        pltpu.make_async_copy(buf, out_hbm.at[0, pl.ds(0, RPT)], sem).wait()

    def _task(buf, xcol, sem, i, j):
        t = s + j
        tp = t - 2

        @pl.when(jnp.logical_and(i > 0, t < e))
        def _():
            _wait(buf, sem)
            _scatter(buf, xcol, tp, zeros)

        @pl.when(t < e)
        def _():
            @pl.when(jnp.logical_or(i == 0, t // TPL != tp // TPL))
            def _():
                pltpu.sync_copy(xt_hbm.at[t // TPL], xcol)

            _scatter(buf, xcol, t, ones)
            _start(buf, t, sem)

    def _pair(i, c):
        _task(buf0, xcol0, sem0, i, 2 * i)
        _task(buf1, xcol1, sem1, i, 2 * i + 1)
        return c

    lax.fori_loop(0, NPAIR, _pair, 0)

    _wait(buf0, sem0)
    _wait(buf1, sem1)


def kernel(x):
    xt = jnp.swapaxes(x, 0, 1).reshape(L, 8, 128)
    f = functools.partial(
        pl.kernel,
        mesh=_mesh,
        compiler_params=pltpu.CompilerParams(needs_layout_passes=False),
        out_type=jax.ShapeDtypeStruct((L, C, B), jnp.float32),
        scratch_types=[
            pltpu.VMEM((8, 128), jnp.int32),
            pltpu.VMEM((8, 128), jnp.int32),
            pltpu.VMEM((RPT, B), jnp.float32),
            pltpu.VMEM((RPT, B), jnp.float32),
            pltpu.SemaphoreType.DMA,
            pltpu.SemaphoreType.DMA,
        ],
    )(_sc_body)
    p = f(xt)
    return jnp.transpose(p, (2, 1, 0))

# --- scband reference (transcript-rebuilt; emitter-appended) ---
"""Pipeline reference for scband-one-hot-91070486544565 (READ-ONLY COPY).

The authoritative reference and input builder live on the scoring server;
editing this copy changes nothing except your own understanding.
"""

import jax, jax.numpy as jnp
import numpy as np

NUM_CLASSES = 1000
DIM = 1


def setup_inputs(seed: int = 0) -> dict:
    key = jax.random.key(seed)
    x = jax.random.randint(key, (1024, 50), 0, NUM_CLASSES, dtype=jnp.int64 if jax.config.read('jax_enable_x64') else jnp.int32).astype(jnp.int32)
    return {"x": x}


def reference(x) -> jnp.ndarray:
    # one_hot over last axis -> [B, L, C]
    oh = jax.nn.one_hot(x, NUM_CLASSES, dtype=jnp.float32)
    # torch transpose(-1, dim) with dim=1 swaps axes -1 and 1 -> [B, C, L]
    out = jnp.swapaxes(oh, -1, DIM)
    return out

if __name__ == "__main__":
    import jax
    _d = setup_inputs()
    print(jax.jit(kernel)(*tuple(_d.values())))

</pallas_src>

<mosaic_0001>
#map = affine_map<(d0, d1) -> (0, 0, 0)>
module attributes {stable_mosaic.version = 14 : i64} {
  func.func @_sc_body(%arg0: i32, %arg1: i32, %arg2: memref<50x8x128xi32, #tpu.memory_space<hbm>>, %arg3: memref<50x1000x1024xf32, #tpu.memory_space<hbm>>, %arg4: memref<8x128xi32, #tpu.memory_space<vmem>>, %arg5: memref<8x128xi32, #tpu.memory_space<vmem>>, %arg6: memref<40x1024xf32, #tpu.memory_space<vmem>>, %arg7: memref<40x1024xf32, #tpu.memory_space<vmem>>, %arg8: memref<!tpu.dma_semaphore, #tpu.memory_space<semaphore_mem>>, %arg9: memref<!tpu.dma_semaphore, #tpu.memory_space<semaphore_mem>>) attributes {dimension_semantics = [#tpu.dimension_semantics<core_parallel>, #tpu.dimension_semantics<subcore_parallel>], iteration_bounds = array<i64: 2, 16>, scalar_prefetch = 0 : i64, scratch_operands = 6 : i64, tpu.core_type = #tpu.core_type<sc_vector_subcore>, window_params = [{transform_indices = #map}, {transform_indices = #map}]} {
    %mul3A = arith.constant 2 : i32
    %mul3A_0 = arith.muli %arg1, %mul3A : i32
    %add3A = arith.addi %mul3A_0, %arg0 : i32
    %iota3A = tpu.iota {dimensions = array<i32: 0>} : vector<16xi32>
    %broadcast_in_dim3A = arith.constant 1.000000e+00 : f32
    %broadcast_in_dim3A_1 = vector.broadcast %broadcast_in_dim3A : f32 to vector<16xf32>
    %broadcast_in_dim3A_2 = arith.constant 0.000000e+00 : f32
    %broadcast_in_dim3A_3 = vector.broadcast %broadcast_in_dim3A_2 : f32 to vector<16xf32>
    %mul3A_4 = arith.constant 1250 : i32
    %mul3A_5 = arith.muli %add3A, %mul3A_4 : i32
    %jit3A = arith.constant 32 : i32
    %div3A = arith.divsi %mul3A_5, %jit3A : i32
    %sign3A = arith.constant 0 : i32
    %sign3A_6 = arith.cmpi sgt, %mul3A_5, %sign3A : i32
    %sign3A_7 = arith.extui %sign3A_6 : i1 to i32
    %sign3A_8 = arith.constant 0 : i32
    %sign3A_9 = arith.cmpi slt, %mul3A_5, %sign3A_8 : i32
    %sign3A_10 = arith.extui %sign3A_9 : i1 to i32
    %sign3A_11 = arith.subi %sign3A_7, %sign3A_10 : i32
    %sign3A_12 = arith.constant 0 : i32
    %sign3A_13 = arith.cmpi sgt, %jit3A, %sign3A_12 : i32
    %sign3A_14 = arith.extui %sign3A_13 : i1 to i32
    %sign3A_15 = arith.constant 0 : i32
    %sign3A_16 = arith.cmpi slt, %jit3A, %sign3A_15 : i32
    %sign3A_17 = arith.extui %sign3A_16 : i1 to i32
    %sign3A_18 = arith.subi %sign3A_14, %sign3A_17 : i32
    %ne3A = arith.cmpi ne, %sign3A_11, %sign3A_18 : i32
    %rem3A = arith.remsi %mul3A_5, %jit3A : i32
    %ne3A_19 = arith.constant 0 : i32
    %ne3A_20 = arith.cmpi ne, %rem3A, %ne3A_19 : i32
    %and3A = arith.andi %ne3A, %ne3A_20 : i1
    %sub3A = arith.constant 1 : i32
    %sub3A_21 = arith.subi %div3A, %sub3A : i32
    %select_n3A = arith.select %and3A, %sub3A_21, %div3A : i32
    %add3A_22 = arith.constant 1 : i32
    %add3A_23 = arith.addi %add3A, %add3A_22 : i32
    %mul3A_24 = arith.constant 1250 : i32
    %mul3A_25 = arith.muli %add3A_23, %mul3A_24 : i32
    %jit3A_26 = arith.constant 32 : i32
    %div3A_27 = arith.divsi %mul3A_25, %jit3A_26 : i32
    %sign3A_28 = arith.constant 0 : i32
    %sign3A_29 = arith.cmpi sgt, %mul3A_25, %sign3A_28 : i32
    %sign3A_30 = arith.extui %sign3A_29 : i1 to i32
    %sign3A_31 = arith.constant 0 : i32
    %sign3A_32 = arith.cmpi slt, %mul3A_25, %sign3A_31 : i32
    %sign3A_33 = arith.extui %sign3A_32 : i1 to i32
    %sign3A_34 = arith.subi %sign3A_30, %sign3A_33 : i32
    %sign3A_35 = arith.constant 0 : i32
    %sign3A_36 = arith.cmpi sgt, %jit3A_26, %sign3A_35 : i32
    %sign3A_37 = arith.extui %sign3A_36 : i1 to i32
    %sign3A_38 = arith.constant 0 : i32
    %sign3A_39 = arith.cmpi slt, %jit3A_26, %sign3A_38 : i32
    %sign3A_40 = arith.extui %sign3A_39 : i1 to i32
    %sign3A_41 = arith.subi %sign3A_37, %sign3A_40 : i32
    %ne3A_42 = arith.cmpi ne, %sign3A_34, %sign3A_41 : i32
    %rem3A_43 = arith.remsi %mul3A_25, %jit3A_26 : i32
    %ne3A_44 = arith.constant 0 : i32
    %ne3A_45 = arith.cmpi ne, %rem3A_43, %ne3A_44 : i32
    %and3A_46 = arith.andi %ne3A_42, %ne3A_45 : i1
    %sub3A_47 = arith.constant 1 : i32
    %sub3A_48 = arith.subi %div3A_27, %sub3A_47 : i32
    %select_n3A_49 = arith.select %and3A_46, %sub3A_48, %div3A_27 : i32
    %scan3A = arith.constant 0 : i32
    %scan3A_50 = arith.constant 0 : i32
    %scan3A_51 = arith.constant 2560 : i32
    %scan3A_52 = arith.addi %scan3A_50, %scan3A_51 : i32
    %scan3A_53 = arith.constant 1 : i32
    scf.for %scan3A_78 = %scan3A_50 to %scan3A_52 step %scan3A_53  : i32 {
      %jit3A_79 = arith.constant 64 : i32
      %div3A_80 = arith.divsi %scan3A_78, %jit3A_79 : i32
      %sign3A_81 = arith.constant 0 : i32
      %sign3A_82 = arith.cmpi sgt, %scan3A_78, %sign3A_81 : i32
      %sign3A_83 = arith.extui %sign3A_82 : i1 to i32
      %sign3A_84 = arith.constant 0 : i32
      %sign3A_85 = arith.cmpi slt, %scan3A_78, %sign3A_84 : i32
      %sign3A_86 = arith.extui %sign3A_85 : i1 to i32
      %sign3A_87 = arith.subi %sign3A_83, %sign3A_86 : i32
      %sign3A_88 = arith.constant 0 : i32
      %sign3A_89 = arith.cmpi sgt, %jit3A_79, %sign3A_88 : i32
      %sign3A_90 = arith.extui %sign3A_89 : i1 to i32
      %sign3A_91 = arith.constant 0 : i32
      %sign3A_92 = arith.cmpi slt, %jit3A_79, %sign3A_91 : i32
      %sign3A_93 = arith.extui %sign3A_92 : i1 to i32
      %sign3A_94 = arith.subi %sign3A_90, %sign3A_93 : i32
      %ne3A_95 = arith.cmpi ne, %sign3A_87, %sign3A_94 : i32
      %rem3A_96 = arith.remsi %scan3A_78, %jit3A_79 : i32
      %ne3A_97 = arith.constant 0 : i32
      %ne3A_98 = arith.cmpi ne, %rem3A_96, %ne3A_97 : i32
      %and3A_99 = arith.andi %ne3A_95, %ne3A_98 : i1
      %sub3A_100 = arith.constant 1 : i32
      %sub3A_101 = arith.subi %div3A_80, %sub3A_100 : i32
      %select_n3A_102 = arith.select %and3A_99, %sub3A_101, %div3A_80 : i32
      %jit3A_103 = arith.constant 64 : i32
      %eq3A = arith.constant 0 : i32
      %eq3A_104 = arith.cmpi eq, %jit3A_103, %eq3A : i32
      %jit3A_105 = arith.constant 1 : i32
      %select_n3A_106 = arith.select %eq3A_104, %jit3A_105, %jit3A_103 : i32
      %rem3A_107 = arith.remsi %scan3A_78, %select_n3A_106 : i32
      %ne3A_108 = arith.constant 0 : i32
      %ne3A_109 = arith.cmpi ne, %rem3A_107, %ne3A_108 : i32
      %lt3A = arith.constant 0 : i32
      %lt3A_110 = arith.cmpi slt, %rem3A_107, %lt3A : i32
      %lt3A_111 = arith.constant 0 : i32
      %lt3A_112 = arith.cmpi slt, %select_n3A_106, %lt3A_111 : i32
      %ne3A_113 = arith.xori %lt3A_110, %lt3A_112 : i1
      %and3A_114 = arith.andi %ne3A_113, %ne3A_109 : i1
      %add3A_115 = arith.addi %rem3A_107, %select_n3A_106 : i32
      %select_n3A_116 = arith.select %and3A_114, %add3A_115, %rem3A_107 : i32
      %mul3A_117 = arith.constant 16 : i32
      %mul3A_118 = arith.muli %select_n3A_116, %mul3A_117 : i32
      %swap3A = arith.index_cast %select_n3A_102 : i32 to index
      %swap3A_119 = arith.index_cast %mul3A_118 : i32 to index
      %swap3A_120 = tpu.vector_load %arg6[%swap3A, %swap3A_119] {strides = array<i32>} : memref<40x1024xf32, #tpu.memory_space<vmem>>, vector<16xf32>,
      tpu.vector_store %arg6[%swap3A, %swap3A_119], %broadcast_in_dim3A_3 {strides = array<i32>} : memref<40x1024xf32, #tpu.memory_space<vmem>>, vector<16xf32>,
      %swap3A_121 = arith.index_cast %select_n3A_102 : i32 to index
      %swap3A_122 = arith.index_cast %mul3A_118 : i32 to index
      %swap3A_123 = tpu.vector_load %arg7[%swap3A_121, %swap3A_122] {strides = array<i32>} : memref<40x1024xf32, #tpu.memory_space<vmem>>, vector<16xf32>,
      tpu.vector_store %arg7[%swap3A_121, %swap3A_122], %broadcast_in_dim3A_3 {strides = array<i32>} : memref<40x1024xf32, #tpu.memory_space<vmem>>, vector<16xf32>,
    }
    %scan3A_54 = arith.constant 2560 : i32
    %scan3A_55 = arith.constant 0 : i32
    %scan3A_56 = arith.constant 0 : i32
    %scan3A_57 = arith.constant 20 : i32
    %scan3A_58 = arith.addi %scan3A_56, %scan3A_57 : i32
    %scan3A_59 = arith.constant 1 : i32
    scf.for %scan3A_78 = %scan3A_56 to %scan3A_58 step %scan3A_59  : i32 {
      %mul3A_79 = arith.constant 2 : i32
      %mul3A_80 = arith.muli %mul3A_79, %scan3A_78 : i32
      %add3A_81 = arith.addi %select_n3A, %mul3A_80 : i32
      %sub3A_82 = arith.constant 2 : i32
      %sub3A_83 = arith.subi %add3A_81, %sub3A_82 : i32
      %gt3A = arith.constant 0 : i32
      %gt3A_84 = arith.cmpi sgt, %scan3A_78, %gt3A : i32
      %lt3A = arith.cmpi slt, %add3A_81, %select_n3A_49 : i32
      %and3A_85 = arith.andi %gt3A_84, %lt3A : i1
      %convert_element_type3A = arith.extui %and3A_85 : i1 to i32
      %cond3A = arith.constant 0 : i32
      %cond3A_86 = arith.cmpi ne, %convert_element_type3A, %cond3A : i32
      scf.if %cond3A_86 {
        %dma_wait3A_109 = arith.constant 0 : i32
        %dma_wait3A_110 = arith.constant 0 : i32
        %dma_wait3A_111 = arith.constant 0 : i32
        %dma_wait3A_112 = tpu.memref_slice %arg3[%dma_wait3A_109, %dma_wait3A_110, %dma_wait3A_111] : memref<50x1000x1024xf32, #tpu.memory_space<hbm>> -> memref<1x40x1024xf32, #tpu.memory_space<hbm>>
        %dma_wait3A_113 = tpu.memref_squeeze %dma_wait3A_112 : memref<1x40x1024xf32, #tpu.memory_space<hbm>> -> memref<40x1024xf32, #tpu.memory_space<hbm>>
        %dma_wait3A_114 = arith.constant 0 : i32
        %dma_wait3A_115 = arith.constant 0 : i32
        %dma_wait3A_116 = tpu.memref_slice %arg3[%dma_wait3A_109, %dma_wait3A_114, %dma_wait3A_115] : memref<50x1000x1024xf32, #tpu.memory_space<hbm>> -> memref<1x40x1024xf32, #tpu.memory_space<hbm>>
        %dma_wait3A_117 = tpu.memref_squeeze %dma_wait3A_116 : memref<1x40x1024xf32, #tpu.memory_space<hbm>> -> memref<40x1024xf32, #tpu.memory_space<hbm>>
        tpu.wait_dma2 semaphore(%arg8 : memref<!tpu.dma_semaphore, #tpu.memory_space<semaphore_mem>>) src(%arg6 : memref<40x1024xf32, #tpu.memory_space<vmem>>) dst(%dma_wait3A_117 : memref<40x1024xf32, #tpu.memory_space<hbm>>)
        %jit3A_118 = arith.constant 25 : i32
        %eq3A = arith.constant 0 : i32
        %eq3A_119 = arith.cmpi eq, %jit3A_118, %eq3A : i32
        %jit3A_120 = arith.constant 1 : i32
        %select_n3A_121 = arith.select %eq3A_119, %jit3A_120, %jit3A_118 : i32
        %rem3A_122 = arith.remsi %sub3A_83, %select_n3A_121 : i32
        %ne3A_123 = arith.constant 0 : i32
        %ne3A_124 = arith.cmpi ne, %rem3A_122, %ne3A_123 : i32
        %lt3A_125 = arith.constant 0 : i32
        %lt3A_126 = arith.cmpi slt, %rem3A_122, %lt3A_125 : i32
        %lt3A_127 = arith.constant 0 : i32
        %lt3A_128 = arith.cmpi slt, %select_n3A_121, %lt3A_127 : i32
        %ne3A_129 = arith.xori %lt3A_126, %lt3A_128 : i1
        %and3A_130 = arith.andi %ne3A_129, %ne3A_124 : i1
        %add3A_131 = arith.addi %rem3A_122, %select_n3A_121 : i32
        %select_n3A_132 = arith.select %and3A_130, %add3A_131, %rem3A_122 : i32
        %mul3A_133 = arith.constant 40 : i32
        %mul3A_134 = arith.muli %select_n3A_132, %mul3A_133 : i32
        %scan3A_135 = arith.constant 0 : i32
        %scan3A_136 = arith.constant 0 : i32
        %scan3A_137 = arith.constant 64 : i32
        %scan3A_138 = arith.addi %scan3A_136, %scan3A_137 : i32
        %scan3A_139 = arith.constant 1 : i32
        scf.for %scan3A_141 = %scan3A_136 to %scan3A_138 step %scan3A_139  : i32 {
          %jit3A_142 = arith.constant 8 : i32
          %div3A_143 = arith.divsi %scan3A_141, %jit3A_142 : i32
          %sign3A_144 = arith.constant 0 : i32
          %sign3A_145 = arith.cmpi sgt, %scan3A_141, %sign3A_144 : i32
          %sign3A_146 = arith.extui %sign3A_145 : i1 to i32
          %sign3A_147 = arith.constant 0 : i32
          %sign3A_148 = arith.cmpi slt, %scan3A_141, %sign3A_147 : i32
          %sign3A_149 = arith.extui %sign3A_148 : i1 to i32
          %sign3A_150 = arith.subi %sign3A_146, %sign3A_149 : i32
          %sign3A_151 = arith.constant 0 : i32
          %sign3A_152 = arith.cmpi sgt, %jit3A_142, %sign3A_151 : i32
          %sign3A_153 = arith.extui %sign3A_152 : i1 to i32
          %sign3A_154 = arith.constant 0 : i32
          %sign3A_155 = arith.cmpi slt, %jit3A_142, %sign3A_154 : i32
          %sign3A_156 = arith.extui %sign3A_155 : i1 to i32
          %sign3A_157 = arith.subi %sign3A_153, %sign3A_156 : i32
          %ne3A_158 = arith.cmpi ne, %sign3A_150, %sign3A_157 : i32
          %rem3A_159 = arith.remsi %scan3A_141, %jit3A_142 : i32
          %ne3A_160 = arith.constant 0 : i32
          %ne3A_161 = arith.cmpi ne, %rem3A_159, %ne3A_160 : i32
          %and3A_162 = arith.andi %ne3A_158, %ne3A_161 : i1
          %sub3A_163 = arith.constant 1 : i32
          %sub3A_164 = arith.subi %div3A_143, %sub3A_163 : i32
          %select_n3A_165 = arith.select %and3A_162, %sub3A_164, %div3A_143 : i32
          %jit3A_166 = arith.constant 8 : i32
          %eq3A_167 = arith.constant 0 : i32
          %eq3A_168 = arith.cmpi eq, %jit3A_166, %eq3A_167 : i32
          %jit3A_169 = arith.constant 1 : i32
          %select_n3A_170 = arith.select %eq3A_168, %jit3A_169, %jit3A_166 : i32
          %rem3A_171 = arith.remsi %scan3A_141, %select_n3A_170 : i32
          %ne3A_172 = arith.constant 0 : i32
          %ne3A_173 = arith.cmpi ne, %rem3A_171, %ne3A_172 : i32
          %lt3A_174 = arith.constant 0 : i32
          %lt3A_175 = arith.cmpi slt, %rem3A_171, %lt3A_174 : i32
          %lt3A_176 = arith.constant 0 : i32
          %lt3A_177 = arith.cmpi slt, %select_n3A_170, %lt3A_176 : i32
          %ne3A_178 = arith.xori %lt3A_175, %lt3A_177 : i1
          %and3A_179 = arith.andi %ne3A_178, %ne3A_173 : i1
          %add3A_180 = arith.addi %rem3A_171, %select_n3A_170 : i32
          %select_n3A_181 = arith.select %and3A_179, %add3A_180, %rem3A_171 : i32
          %mul3A_182 = arith.constant 16 : i32
          %mul3A_183 = arith.muli %select_n3A_181, %mul3A_182 : i32
          %get3A = arith.index_cast %select_n3A_165 : i32 to index
          %get3A_184 = arith.index_cast %mul3A_183 : i32 to index
          %get3A_185 = tpu.vector_load %arg4[%get3A, %get3A_184] {strides = array<i32>} : memref<8x128xi32, #tpu.memory_space<vmem>>, vector<16xi32>,
          %sub3A_186 = vector.broadcast %mul3A_134 : i32 to vector<16xi32>
          %sub3A_187 = arith.subi %get3A_185, %sub3A_186 : vector<16xi32>
          %ge3A = arith.constant 0 : i32
          %ge3A_188 = vector.broadcast %ge3A : i32 to vector<16xi32>
          %ge3A_189 = arith.cmpi sge, %sub3A_187, %ge3A_188 : vector<16xi32>
          %lt3A_190 = arith.constant 40 : i32
          %lt3A_191 = vector.broadcast %lt3A_190 : i32 to vector<16xi32>
          %lt3A_192 = arith.cmpi slt, %sub3A_187, %lt3A_191 : vector<16xi32>
          %and3A_193 = arith.andi %ge3A_189, %lt3A_192 : vector<16xi1>
          %jit3A_194 = arith.constant 0 : i32
          %jit3A_195 = arith.constant 39 : i32
          %max3A = vector.broadcast %jit3A_194 : i32 to vector<16xi32>
          %max3A_196 = arith.maxsi %max3A, %sub3A_187 : vector<16xi32>
          %min3A = vector.broadcast %jit3A_195 : i32 to vector<16xi32>
          %min3A_197 = arith.minsi %min3A, %max3A_196 : vector<16xi32>
          %jit3A_198 = arith.constant 8 : i32
          %div3A_199 = arith.divsi %scan3A_141, %jit3A_198 : i32
          %sign3A_200 = arith.constant 0 : i32
          %sign3A_201 = arith.cmpi sgt, %scan3A_141, %sign3A_200 : i32
          %sign3A_202 = arith.extui %sign3A_201 : i1 to i32
          %sign3A_203 = arith.constant 0 : i32
          %sign3A_204 = arith.cmpi slt, %scan3A_141, %sign3A_203 : i32
          %sign3A_205 = arith.extui %sign3A_204 : i1 to i32
          %sign3A_206 = arith.subi %sign3A_202, %sign3A_205 : i32
          %sign3A_207 = arith.constant 0 : i32
          %sign3A_208 = arith.cmpi sgt, %jit3A_198, %sign3A_207 : i32
          %sign3A_209 = arith.extui %sign3A_208 : i1 to i32
          %sign3A_210 = arith.constant 0 : i32
          %sign3A_211 = arith.cmpi slt, %jit3A_198, %sign3A_210 : i32
          %sign3A_212 = arith.extui %sign3A_211 : i1 to i32
          %sign3A_213 = arith.subi %sign3A_209, %sign3A_212 : i32
          %ne3A_214 = arith.cmpi ne, %sign3A_206, %sign3A_213 : i32
          %rem3A_215 = arith.remsi %scan3A_141, %jit3A_198 : i32
          %ne3A_216 = arith.constant 0 : i32
          %ne3A_217 = arith.cmpi ne, %rem3A_215, %ne3A_216 : i32
          %and3A_218 = arith.andi %ne3A_214, %ne3A_217 : i1
          %sub3A_219 = arith.constant 1 : i32
          %sub3A_220 = arith.subi %div3A_199, %sub3A_219 : i32
          %select_n3A_221 = arith.select %and3A_218, %sub3A_220, %div3A_199 : i32
          %mul3A_222 = arith.constant 128 : i32
          %mul3A_223 = arith.muli %select_n3A_221, %mul3A_222 : i32
          %jit3A_224 = arith.constant 8 : i32
          %eq3A_225 = arith.constant 0 : i32
          %eq3A_226 = arith.cmpi eq, %jit3A_224, %eq3A_225 : i32
          %jit3A_227 = arith.constant 1 : i32
          %select_n3A_228 = arith.select %eq3A_226, %jit3A_227, %jit3A_224 : i32
          %rem3A_229 = arith.remsi %scan3A_141, %select_n3A_228 : i32
          %ne3A_230 = arith.constant 0 : i32
          %ne3A_231 = arith.cmpi ne, %rem3A_229, %ne3A_230 : i32
          %lt3A_232 = arith.constant 0 : i32
          %lt3A_233 = arith.cmpi slt, %rem3A_229, %lt3A_232 : i32
          %lt3A_234 = arith.constant 0 : i32
          %lt3A_235 = arith.cmpi slt, %select_n3A_228, %lt3A_234 : i32
          %ne3A_236 = arith.xori %lt3A_233, %lt3A_235 : i1
          %and3A_237 = arith.andi %ne3A_236, %ne3A_231 : i1
          %add3A_238 = arith.addi %rem3A_229, %select_n3A_228 : i32
          %select_n3A_239 = arith.select %and3A_237, %add3A_238, %rem3A_229 : i32
          %mul3A_240 = arith.constant 16 : i32
          %mul3A_241 = arith.muli %select_n3A_239, %mul3A_240 : i32
          %add3A_242 = arith.addi %mul3A_223, %mul3A_241 : i32
          %add3A_243 = vector.broadcast %add3A_242 : i32 to vector<16xi32>
          %add3A_244 = arith.addi %add3A_243, %iota3A : vector<16xi32>
          tpu.vector_store_idx %arg6[%min3A_197, %add3A_244], %broadcast_in_dim3A_3 masked %and3A_193 : memref<40x1024xf32, #tpu.memory_space<vmem>>[vector<16xi32>, vector<16xi32>], vector<16xf32>, vector<16xi1>
        }
        %scan3A_140 = arith.constant 64 : i32
      } else {
      }
      %lt3A_87 = arith.cmpi slt, %add3A_81, %select_n3A_49 : i32
      %convert_element_type3A_88 = arith.extui %lt3A_87 : i1 to i32
      %cond3A_89 = arith.constant 0 : i32
      %cond3A_90 = arith.cmpi ne, %convert_element_type3A_88, %cond3A_89 : i32
      scf.if %cond3A_90 {
        %eq3A = arith.constant 0 : i32
        %eq3A_109 = arith.cmpi eq, %scan3A_78, %eq3A : i32
        %jit3A_110 = arith.constant 25 : i32
        %div3A_111 = arith.divsi %add3A_81, %jit3A_110 : i32
        %sign3A_112 = arith.constant 0 : i32
        %sign3A_113 = arith.cmpi sgt, %add3A_81, %sign3A_112 : i32
        %sign3A_114 = arith.extui %sign3A_113 : i1 to i32
        %sign3A_115 = arith.constant 0 : i32
        %sign3A_116 = arith.cmpi slt, %add3A_81, %sign3A_115 : i32
        %sign3A_117 = arith.extui %sign3A_116 : i1 to i32
        %sign3A_118 = arith.subi %sign3A_114, %sign3A_117 : i32
        %sign3A_119 = arith.constant 0 : i32
        %sign3A_120 = arith.cmpi sgt, %jit3A_110, %sign3A_119 : i32
        %sign3A_121 = arith.extui %sign3A_120 : i1 to i32
        %sign3A_122 = arith.constant 0 : i32
        %sign3A_123 = arith.cmpi slt, %jit3A_110, %sign3A_122 : i32
        %sign3A_124 = arith.extui %sign3A_123 : i1 to i32
        %sign3A_125 = arith.subi %sign3A_121, %sign3A_124 : i32
        %ne3A_126 = arith.cmpi ne, %sign3A_118, %sign3A_125 : i32
        %rem3A_127 = arith.remsi %add3A_81, %jit3A_110 : i32
        %ne3A_128 = arith.constant 0 : i32
        %ne3A_129 = arith.cmpi ne, %rem3A_127, %ne3A_128 : i32
        %and3A_130 = arith.andi %ne3A_126, %ne3A_129 : i1
        %sub3A_131 = arith.constant 1 : i32
        %sub3A_132 = arith.subi %div3A_111, %sub3A_131 : i32
        %select_n3A_133 = arith.select %and3A_130, %sub3A_132, %div3A_111 : i32
        %jit3A_134 = arith.constant 25 : i32
        %div3A_135 = arith.divsi %sub3A_83, %jit3A_134 : i32
        %sign3A_136 = arith.constant 0 : i32
        %sign3A_137 = arith.cmpi sgt, %sub3A_83, %sign3A_136 : i32
        %sign3A_138 = arith.extui %sign3A_137 : i1 to i32
        %sign3A_139 = arith.constant 0 : i32
        %sign3A_140 = arith.cmpi slt, %sub3A_83, %sign3A_139 : i32
        %sign3A_141 = arith.extui %sign3A_140 : i1 to i32
        %sign3A_142 = arith.subi %sign3A_138, %sign3A_141 : i32
        %sign3A_143 = arith.constant 0 : i32
        %sign3A_144 = arith.cmpi sgt, %jit3A_134, %sign3A_143 : i32
        %sign3A_145 = arith.extui %sign3A_144 : i1 to i32
        %sign3A_146 = arith.constant 0 : i32
        %sign3A_147 = arith.cmpi slt, %jit3A_134, %sign3A_146 : i32
        %sign3A_148 = arith.extui %sign3A_147 : i1 to i32
        %sign3A_149 = arith.subi %sign3A_145, %sign3A_148 : i32
        %ne3A_150 = arith.cmpi ne, %sign3A_142, %sign3A_149 : i32
        %rem3A_151 = arith.remsi %sub3A_83, %jit3A_134 : i32
        %ne3A_152 = arith.constant 0 : i32
        %ne3A_153 = arith.cmpi ne, %rem3A_151, %ne3A_152 : i32
        %and3A_154 = arith.andi %ne3A_150, %ne3A_153 : i1
        %sub3A_155 = arith.constant 1 : i32
        %sub3A_156 = arith.subi %div3A_135, %sub3A_155 : i32
        %select_n3A_157 = arith.select %and3A_154, %sub3A_156, %div3A_135 : i32
        %ne3A_158 = arith.cmpi ne, %select_n3A_133, %select_n3A_157 : i32
        %or3A = arith.ori %eq3A_109, %ne3A_158 : i1
        %convert_element_type3A_159 = arith.extui %or3A : i1 to i32
        %cond3A_160 = arith.constant 0 : i32
        %cond3A_161 = arith.cmpi ne, %convert_element_type3A_159, %cond3A_160 : i32
        scf.if %cond3A_161 {
          %jit3A_233 = arith.constant 25 : i32
          %div3A_234 = arith.divsi %add3A_81, %jit3A_233 : i32
          %sign3A_235 = arith.constant 0 : i32
          %sign3A_236 = arith.cmpi sgt, %add3A_81, %sign3A_235 : i32
          %sign3A_237 = arith.extui %sign3A_236 : i1 to i32
          %sign3A_238 = arith.constant 0 : i32
          %sign3A_239 = arith.cmpi slt, %add3A_81, %sign3A_238 : i32
          %sign3A_240 = arith.extui %sign3A_239 : i1 to i32
          %sign3A_241 = arith.subi %sign3A_237, %sign3A_240 : i32
          %sign3A_242 = arith.constant 0 : i32
          %sign3A_243 = arith.cmpi sgt, %jit3A_233, %sign3A_242 : i32
          %sign3A_244 = arith.extui %sign3A_243 : i1 to i32
          %sign3A_245 = arith.constant 0 : i32
          %sign3A_246 = arith.cmpi slt, %jit3A_233, %sign3A_245 : i32
          %sign3A_247 = arith.extui %sign3A_246 : i1 to i32
          %sign3A_248 = arith.subi %sign3A_244, %sign3A_247 : i32
          %ne3A_249 = arith.cmpi ne, %sign3A_241, %sign3A_248 : i32
          %rem3A_250 = arith.remsi %add3A_81, %jit3A_233 : i32
          %ne3A_251 = arith.constant 0 : i32
          %ne3A_252 = arith.cmpi ne, %rem3A_250, %ne3A_251 : i32
          %and3A_253 = arith.andi %ne3A_249, %ne3A_252 : i1
          %sub3A_254 = arith.constant 1 : i32
          %sub3A_255 = arith.subi %div3A_234, %sub3A_254 : i32
          %select_n3A_256 = arith.select %and3A_253, %sub3A_255, %div3A_234 : i32
          "tpu.region"() ({
            %run_scoped3A = tpu.sem_alloc : memref<!tpu.dma_semaphore, #tpu.memory_space<semaphore_mem>>
            %dma_start3A_257 = arith.constant 0 : i32
            %dma_start3A_258 = arith.constant 0 : i32
            %dma_start3A_259 = tpu.memref_slice %arg2[%select_n3A_256, %dma_start3A_257, %dma_start3A_258] : memref<50x8x128xi32, #tpu.memory_space<hbm>> -> memref<1x8x128xi32, #tpu.memory_space<hbm>>
            %dma_start3A_260 = tpu.memref_squeeze %dma_start3A_259 : memref<1x8x128xi32, #tpu.memory_space<hbm>> -> memref<8x128xi32, #tpu.memory_space<hbm>>
            %dma_start3A_261 = arith.constant 0 : i32
            %dma_start3A_262 = arith.constant 0 : i32
            %dma_start3A_263 = tpu.memref_slice %arg2[%select_n3A_256, %dma_start3A_261, %dma_start3A_262] : memref<50x8x128xi32, #tpu.memory_space<hbm>> -> memref<1x8x128xi32, #tpu.memory_space<hbm>>
            %dma_start3A_264 = tpu.memref_squeeze %dma_start3A_263 : memref<1x8x128xi32, #tpu.memory_space<hbm>> -> memref<8x128xi32, #tpu.memory_space<hbm>>
            tpu.enqueue_dma source(%dma_start3A_264 : memref<8x128xi32, #tpu.memory_space<hbm>>) target(%arg4 : memref<8x128xi32, #tpu.memory_space<vmem>>) target_semaphore(%run_scoped3A : memref<!tpu.dma_semaphore, #tpu.memory_space<semaphore_mem>>)
            %dma_wait3A_265 = arith.constant 0 : i32
            %dma_wait3A_266 = arith.constant 0 : i32
            %dma_wait3A_267 = tpu.memref_slice %arg2[%select_n3A_256, %dma_wait3A_265, %dma_wait3A_266] : memref<50x8x128xi32, #tpu.memory_space<hbm>> -> memref<1x8x128xi32, #tpu.memory_space<hbm>>
            %dma_wait3A_268 = tpu.memref_squeeze %dma_wait3A_267 : memref<1x8x128xi32, #tpu.memory_space<hbm>> -> memref<8x128xi32, #tpu.memory_space<hbm>>
            %dma_wait3A_269 = arith.constant 0 : i32
            %dma_wait3A_270 = arith.constant 0 : i32
            %dma_wait3A_271 = tpu.memref_slice %arg2[%select_n3A_256, %dma_wait3A_269, %dma_wait3A_270] : memref<50x8x128xi32, #tpu.memory_space<hbm>> -> memref<1x8x128xi32, #tpu.memory_space<hbm>>
            %dma_wait3A_272 = tpu.memref_squeeze %dma_wait3A_271 : memref<1x8x128xi32, #tpu.memory_space<hbm>> -> memref<8x128xi32, #tpu.memory_space<hbm>>
            tpu.wait_dma2 semaphore(%run_scoped3A : memref<!tpu.dma_semaphore, #tpu.memory_space<semaphore_mem>>) src(%dma_wait3A_272 : memref<8x128xi32, #tpu.memory_space<hbm>>) dst(%arg4 : memref<8x128xi32, #tpu.memory_space<vmem>>)
            tpu.yield
          }) : () -> ()
        } else {
        }
        %jit3A_162 = arith.constant 25 : i32
        %eq3A_163 = arith.constant 0 : i32
        %eq3A_164 = arith.cmpi eq, %jit3A_162, %eq3A_163 : i32
        %jit3A_165 = arith.constant 1 : i32
        %select_n3A_166 = arith.select %eq3A_164, %jit3A_165, %jit3A_162 : i32
        %rem3A_167 = arith.remsi %add3A_81, %select_n3A_166 : i32
        %ne3A_168 = arith.constant 0 : i32
        %ne3A_169 = arith.cmpi ne, %rem3A_167, %ne3A_168 : i32
        %lt3A_170 = arith.constant 0 : i32
        %lt3A_171 = arith.cmpi slt, %rem3A_167, %lt3A_170 : i32
        %lt3A_172 = arith.constant 0 : i32
        %lt3A_173 = arith.cmpi slt, %select_n3A_166, %lt3A_172 : i32
        %ne3A_174 = arith.xori %lt3A_171, %lt3A_173 : i1
        %and3A_175 = arith.andi %ne3A_174, %ne3A_169 : i1
        %add3A_176 = arith.addi %rem3A_167, %select_n3A_166 : i32
        %select_n3A_177 = arith.select %and3A_175, %add3A_176, %rem3A_167 : i32
        %mul3A_178 = arith.constant 40 : i32
        %mul3A_179 = arith.muli %select_n3A_177, %mul3A_178 : i32
        %scan3A_180 = arith.constant 0 : i32
        %scan3A_181 = arith.constant 0 : i32
        %scan3A_182 = arith.constant 64 : i32
        %scan3A_183 = arith.addi %scan3A_181, %scan3A_182 : i32
        %scan3A_184 = arith.constant 1 : i32
        scf.for %scan3A_233 = %scan3A_181 to %scan3A_183 step %scan3A_184  : i32 {
          %jit3A_234 = arith.constant 8 : i32
          %div3A_235 = arith.divsi %scan3A_233, %jit3A_234 : i32
          %sign3A_236 = arith.constant 0 : i32
          %sign3A_237 = arith.cmpi sgt, %scan3A_233, %sign3A_236 : i32
          %sign3A_238 = arith.extui %sign3A_237 : i1 to i32
          %sign3A_239 = arith.constant 0 : i32
          %sign3A_240 = arith.cmpi slt, %scan3A_233, %sign3A_239 : i32
          %sign3A_241 = arith.extui %sign3A_240 : i1 to i32
          %sign3A_242 = arith.subi %sign3A_238, %sign3A_241 : i32
          %sign3A_243 = arith.constant 0 : i32
          %sign3A_244 = arith.cmpi sgt, %jit3A_234, %sign3A_243 : i32
          %sign3A_245 = arith.extui %sign3A_244 : i1 to i32
          %sign3A_246 = arith.constant 0 : i32
          %sign3A_247 = arith.cmpi slt, %jit3A_234, %sign3A_246 : i32
          %sign3A_248 = arith.extui %sign3A_247 : i1 to i32
          %sign3A_249 = arith.subi %sign3A_245, %sign3A_248 : i32
          %ne3A_250 = arith.cmpi ne, %sign3A_242, %sign3A_249 : i32
          %rem3A_251 = arith.remsi %scan3A_233, %jit3A_234 : i32
          %ne3A_252 = arith.constant 0 : i32
          %ne3A_253 = arith.cmpi ne, %rem3A_251, %ne3A_252 : i32
          %and3A_254 = arith.andi %ne3A_250, %ne3A_253 : i1
          %sub3A_255 = arith.constant 1 : i32
          %sub3A_256 = arith.subi %div3A_235, %sub3A_255 : i32
          %select_n3A_257 = arith.select %and3A_254, %sub3A_256, %div3A_235 : i32
          %jit3A_258 = arith.constant 8 : i32
          %eq3A_259 = arith.constant 0 : i32
          %eq3A_260 = arith.cmpi eq, %jit3A_258, %eq3A_259 : i32
          %jit3A_261 = arith.constant 1 : i32
          %select_n3A_262 = arith.select %eq3A_260, %jit3A_261, %jit3A_258 : i32
          %rem3A_263 = arith.remsi %scan3A_233, %select_n3A_262 : i32
          %ne3A_264 = arith.constant 0 : i32
          %ne3A_265 = arith.cmpi ne, %rem3A_263, %ne3A_264 : i32
          %lt3A_266 = arith.constant 0 : i32
          %lt3A_267 = arith.cmpi slt, %rem3A_263, %lt3A_266 : i32
          %lt3A_268 = arith.constant 0 : i32
          %lt3A_269 = arith.cmpi slt, %select_n3A_262, %lt3A_268 : i32
          %ne3A_270 = arith.xori %lt3A_267, %lt3A_269 : i1
          %and3A_271 = arith.andi %ne3A_270, %ne3A_265 : i1
          %add3A_272 = arith.addi %rem3A_263, %select_n3A_262 : i32
          %select_n3A_273 = arith.select %and3A_271, %add3A_272, %rem3A_263 : i32
          %mul3A_274 = arith.constant 16 : i32
          %mul3A_275 = arith.muli %select_n3A_273, %mul3A_274 : i32
          %get3A = arith.index_cast %select_n3A_257 : i32 to index
          %get3A_276 = arith.index_cast %mul3A_275 : i32 to index
          %get3A_277 = tpu.vector_load %arg4[%get3A, %get3A_276] {strides = array<i32>} : memref<8x128xi32, #tpu.memory_space<vmem>>, vector<16xi32>,
          %sub3A_278 = vector.broadcast %mul3A_179 : i32 to vector<16xi32>
          %sub3A_279 = arith.subi %get3A_277, %sub3A_278 : vector<16xi32>
          %ge3A = arith.constant 0 : i32
          %ge3A_280 = vector.broadcast %ge3A : i32 to vector<16xi32>
          %ge3A_281 = arith.cmpi sge, %sub3A_279, %ge3A_280 : vector<16xi32>
          %lt3A_282 = arith.constant 40 : i32
          %lt3A_283 = vector.broadcast %lt3A_282 : i32 to vector<16xi32>
          %lt3A_284 = arith.cmpi slt, %sub3A_279, %lt3A_283 : vector<16xi32>
          %and3A_285 = arith.andi %ge3A_281, %lt3A_284 : vector<16xi1>
          %jit3A_286 = arith.constant 0 : i32
          %jit3A_287 = arith.constant 39 : i32
          %max3A = vector.broadcast %jit3A_286 : i32 to vector<16xi32>
          %max3A_288 = arith.maxsi %max3A, %sub3A_279 : vector<16xi32>
          %min3A = vector.broadcast %jit3A_287 : i32 to vector<16xi32>
          %min3A_289 = arith.minsi %min3A, %max3A_288 : vector<16xi32>
          %jit3A_290 = arith.constant 8 : i32
          %div3A_291 = arith.divsi %scan3A_233, %jit3A_290 : i32
          %sign3A_292 = arith.constant 0 : i32
          %sign3A_293 = arith.cmpi sgt, %scan3A_233, %sign3A_292 : i32
          %sign3A_294 = arith.extui %sign3A_293 : i1 to i32
          %sign3A_295 = arith.constant 0 : i32
          %sign3A_296 = arith.cmpi slt, %scan3A_233, %sign3A_295 : i32
          %sign3A_297 = arith.extui %sign3A_296 : i1 to i32
          %sign3A_298 = arith.subi %sign3A_294, %sign3A_297 : i32
          %sign3A_299 = arith.constant 0 : i32
          %sign3A_300 = arith.cmpi sgt, %jit3A_290, %sign3A_299 : i32
          %sign3A_301 = arith.extui %sign3A_300 : i1 to i32
          %sign3A_302 = arith.constant 0 : i32
          %sign3A_303 = arith.cmpi slt, %jit3A_290, %sign3A_302 : i32
          %sign3A_304 = arith.extui %sign3A_303 : i1 to i32
          %sign3A_305 = arith.subi %sign3A_301, %sign3A_304 : i32
          %ne3A_306 = arith.cmpi ne, %sign3A_298, %sign3A_305 : i32
          %rem3A_307 = arith.remsi %scan3A_233, %jit3A_290 : i32
          %ne3A_308 = arith.constant 0 : i32
          %ne3A_309 = arith.cmpi ne, %rem3A_307, %ne3A_308 : i32
          %and3A_310 = arith.andi %ne3A_306, %ne3A_309 : i1
          %sub3A_311 = arith.constant 1 : i32
          %sub3A_312 = arith.subi %div3A_291, %sub3A_311 : i32
          %select_n3A_313 = arith.select %and3A_310, %sub3A_312, %div3A_291 : i32
          %mul3A_314 = arith.constant 128 : i32
          %mul3A_315 = arith.muli %select_n3A_313, %mul3A_314 : i32
          %jit3A_316 = arith.constant 8 : i32
          %eq3A_317 = arith.constant 0 : i32
          %eq3A_318 = arith.cmpi eq, %jit3A_316, %eq3A_317 : i32
          %jit3A_319 = arith.constant 1 : i32
          %select_n3A_320 = arith.select %eq3A_318, %jit3A_319, %jit3A_316 : i32
          %rem3A_321 = arith.remsi %scan3A_233, %select_n3A_320 : i32
          %ne3A_322 = arith.constant 0 : i32
          %ne3A_323 = arith.cmpi ne, %rem3A_321, %ne3A_322 : i32
          %lt3A_324 = arith.constant 0 : i32
          %lt3A_325 = arith.cmpi slt, %rem3A_321, %lt3A_324 : i32
          %lt3A_326 = arith.constant 0 : i32
          %lt3A_327 = arith.cmpi slt, %select_n3A_320, %lt3A_326 : i32
          %ne3A_328 = arith.xori %lt3A_325, %lt3A_327 : i1
          %and3A_329 = arith.andi %ne3A_328, %ne3A_323 : i1
          %add3A_330 = arith.addi %rem3A_321, %select_n3A_320 : i32
          %select_n3A_331 = arith.select %and3A_329, %add3A_330, %rem3A_321 : i32
          %mul3A_332 = arith.constant 16 : i32
          %mul3A_333 = arith.muli %select_n3A_331, %mul3A_332 : i32
          %add3A_334 = arith.addi %mul3A_315, %mul3A_333 : i32
          %add3A_335 = vector.broadcast %add3A_334 : i32 to vector<16xi32>
          %add3A_336 = arith.addi %add3A_335, %iota3A : vector<16xi32>
          tpu.vector_store_idx %arg6[%min3A_289, %add3A_336], %broadcast_in_dim3A_1 masked %and3A_285 : memref<40x1024xf32, #tpu.memory_space<vmem>>[vector<16xi32>, vector<16xi32>], vector<16xf32>, vector<16xi1>
        }
        %scan3A_185 = arith.constant 64 : i32
        %jit3A_186 = arith.constant 25 : i32
        %div3A_187 = arith.divsi %add3A_81, %jit3A_186 : i32
        %sign3A_188 = arith.constant 0 : i32
        %sign3A_189 = arith.cmpi sgt, %add3A_81, %sign3A_188 : i32
        %sign3A_190 = arith.extui %sign3A_189 : i1 to i32
        %sign3A_191 = arith.constant 0 : i32
        %sign3A_192 = arith.cmpi slt, %add3A_81, %sign3A_191 : i32
        %sign3A_193 = arith.extui %sign3A_192 : i1 to i32
        %sign3A_194 = arith.subi %sign3A_190, %sign3A_193 : i32
        %sign3A_195 = arith.constant 0 : i32
        %sign3A_196 = arith.cmpi sgt, %jit3A_186, %sign3A_195 : i32
        %sign3A_197 = arith.extui %sign3A_196 : i1 to i32
        %sign3A_198 = arith.constant 0 : i32
        %sign3A_199 = arith.cmpi slt, %jit3A_186, %sign3A_198 : i32
        %sign3A_200 = arith.extui %sign3A_199 : i1 to i32
        %sign3A_201 = arith.subi %sign3A_197, %sign3A_200 : i32
        %ne3A_202 = arith.cmpi ne, %sign3A_194, %sign3A_201 : i32
        %rem3A_203 = arith.remsi %add3A_81, %jit3A_186 : i32
        %ne3A_204 = arith.constant 0 : i32
        %ne3A_205 = arith.cmpi ne, %rem3A_203, %ne3A_204 : i32
        %and3A_206 = arith.andi %ne3A_202, %ne3A_205 : i1
        %sub3A_207 = arith.constant 1 : i32
        %sub3A_208 = arith.subi %div3A_187, %sub3A_207 : i32
        %select_n3A_209 = arith.select %and3A_206, %sub3A_208, %div3A_187 : i32
        %jit3A_210 = arith.constant 25 : i32
        %eq3A_211 = arith.constant 0 : i32
        %eq3A_212 = arith.cmpi eq, %jit3A_210, %eq3A_211 : i32
        %jit3A_213 = arith.constant 1 : i32
        %select_n3A_214 = arith.select %eq3A_212, %jit3A_213, %jit3A_210 : i32
        %rem3A_215 = arith.remsi %add3A_81, %select_n3A_214 : i32
        %ne3A_216 = arith.constant 0 : i32
        %ne3A_217 = arith.cmpi ne, %rem3A_215, %ne3A_216 : i32
        %lt3A_218 = arith.constant 0 : i32
        %lt3A_219 = arith.cmpi slt, %rem3A_215, %lt3A_218 : i32
        %lt3A_220 = arith.constant 0 : i32
        %lt3A_221 = arith.cmpi slt, %select_n3A_214, %lt3A_220 : i32
        %ne3A_222 = arith.xori %lt3A_219, %lt3A_221 : i1
        %and3A_223 = arith.andi %ne3A_222, %ne3A_217 : i1
        %add3A_224 = arith.addi %rem3A_215, %select_n3A_214 : i32
        %select_n3A_225 = arith.select %and3A_223, %add3A_224, %rem3A_215 : i32
        %mul3A_226 = arith.constant 40 : i32
        %mul3A_227 = arith.muli %select_n3A_225, %mul3A_226 : i32
        %multiple_of3A = tpu.assume_multiple %mul3A_227, 40 : i32
        %dma_start3A = arith.constant 0 : i32
        %dma_start3A_228 = tpu.memref_slice %arg3[%select_n3A_209, %multiple_of3A, %dma_start3A] : memref<50x1000x1024xf32, #tpu.memory_space<hbm>> -> memref<1x40x1024xf32, #tpu.memory_space<hbm>>
        %dma_start3A_229 = tpu.memref_squeeze %dma_start3A_228 : memref<1x40x1024xf32, #tpu.memory_space<hbm>> -> memref<40x1024xf32, #tpu.memory_space<hbm>>
        %dma_start3A_230 = arith.constant 0 : i32
        %dma_start3A_231 = tpu.memref_slice %arg3[%select_n3A_209, %multiple_of3A, %dma_start3A_230] : memref<50x1000x1024xf32, #tpu.memory_space<hbm>> -> memref<1x40x1024xf32, #tpu.memory_space<hbm>>
        %dma_start3A_232 = tpu.memref_squeeze %dma_start3A_231 : memref<1x40x1024xf32, #tpu.memory_space<hbm>> -> memref<40x1024xf32, #tpu.memory_space<hbm>>
        tpu.enqueue_dma source(%arg6 : memref<40x1024xf32, #tpu.memory_space<vmem>>) target(%dma_start3A_232 : memref<40x1024xf32, #tpu.memory_space<hbm>>) target_semaphore(%arg8 : memref<!tpu.dma_semaphore, #tpu.memory_space<semaphore_mem>>)
      } else {
      }
      %mul3A_91 = arith.constant 2 : i32
      %mul3A_92 = arith.muli %mul3A_91, %scan3A_78 : i32
      %add3A_93 = arith.constant 1 : i32
      %add3A_94 = arith.addi %mul3A_92, %add3A_93 : i32
      %add3A_95 = arith.addi %select_n3A, %add3A_94 : i32
      %sub3A_96 = arith.constant 2 : i32
      %sub3A_97 = arith.subi %add3A_95, %sub3A_96 : i32
      %gt3A_98 = arith.constant 0 : i32
      %gt3A_99 = arith.cmpi sgt, %scan3A_78, %gt3A_98 : i32
      %lt3A_100 = arith.cmpi slt, %add3A_95, %select_n3A_49 : i32
      %and3A_101 = arith.andi %gt3A_99, %lt3A_100 : i1
      %convert_element_type3A_102 = arith.extui %and3A_101 : i1 to i32
      %cond3A_103 = arith.constant 0 : i32
      %cond3A_104 = arith.cmpi ne, %convert_element_type3A_102, %cond3A_103 : i32
      scf.if %cond3A_104 {
        %dma_wait3A_109 = arith.constant 0 : i32
        %dma_wait3A_110 = arith.constant 0 : i32
        %dma_wait3A_111 = arith.constant 0 : i32
        %dma_wait3A_112 = tpu.memref_slice %arg3[%dma_wait3A_109, %dma_wait3A_110, %dma_wait3A_111] : memref<50x1000x1024xf32, #tpu.memory_space<hbm>> -> memref<1x40x1024xf32, #tpu.memory_space<hbm>>
        %dma_wait3A_113 = tpu.memref_squeeze %dma_wait3A_112 : memref<1x40x1024xf32, #tpu.memory_space<hbm>> -> memref<40x1024xf32, #tpu.memory_space<hbm>>
        %dma_wait3A_114 = arith.constant 0 : i32
        %dma_wait3A_115 = arith.constant 0 : i32
        %dma_wait3A_116 = tpu.memref_slice %arg3[%dma_wait3A_109, %dma_wait3A_114, %dma_wait3A_115] : memref<50x1000x1024xf32, #tpu.memory_space<hbm>> -> memref<1x40x1024xf32, #tpu.memory_space<hbm>>
        %dma_wait3A_117 = tpu.memref_squeeze %dma_wait3A_116 : memref<1x40x1024xf32, #tpu.memory_space<hbm>> -> memref<40x1024xf32, #tpu.memory_space<hbm>>
        tpu.wait_dma2 semaphore(%arg9 : memref<!tpu.dma_semaphore, #tpu.memory_space<semaphore_mem>>) src(%arg7 : memref<40x1024xf32, #tpu.memory_space<vmem>>) dst(%dma_wait3A_117 : memref<40x1024xf32, #tpu.memory_space<hbm>>)
        %jit3A_118 = arith.constant 25 : i32
        %eq3A = arith.constant 0 : i32
        %eq3A_119 = arith.cmpi eq, %jit3A_118, %eq3A : i32
        %jit3A_120 = arith.constant 1 : i32
        %select_n3A_121 = arith.select %eq3A_119, %jit3A_120, %jit3A_118 : i32
        %rem3A_122 = arith.remsi %sub3A_97, %select_n3A_121 : i32
        %ne3A_123 = arith.constant 0 : i32
        %ne3A_124 = arith.cmpi ne, %rem3A_122, %ne3A_123 : i32
        %lt3A_125 = arith.constant 0 : i32
        %lt3A_126 = arith.cmpi slt, %rem3A_122, %lt3A_125 : i32
        %lt3A_127 = arith.constant 0 : i32
        %lt3A_128 = arith.cmpi slt, %select_n3A_121, %lt3A_127 : i32
        %ne3A_129 = arith.xori %lt3A_126, %lt3A_128 : i1
        %and3A_130 = arith.andi %ne3A_129, %ne3A_124 : i1
        %add3A_131 = arith.addi %rem3A_122, %select_n3A_121 : i32
        %select_n3A_132 = arith.select %and3A_130, %add3A_131, %rem3A_122 : i32
        %mul3A_133 = arith.constant 40 : i32
        %mul3A_134 = arith.muli %select_n3A_132, %mul3A_133 : i32
        %scan3A_135 = arith.constant 0 : i32
        %scan3A_136 = arith.constant 0 : i32
        %scan3A_137 = arith.constant 64 : i32
        %scan3A_138 = arith.addi %scan3A_136, %scan3A_137 : i32
        %scan3A_139 = arith.constant 1 : i32
        scf.for %scan3A_141 = %scan3A_136 to %scan3A_138 step %scan3A_139  : i32 {
          %jit3A_142 = arith.constant 8 : i32
          %div3A_143 = arith.divsi %scan3A_141, %jit3A_142 : i32
          %sign3A_144 = arith.constant 0 : i32
          %sign3A_145 = arith.cmpi sgt, %scan3A_141, %sign3A_144 : i32
          %sign3A_146 = arith.extui %sign3A_145 : i1 to i32
          %sign3A_147 = arith.constant 0 : i32
          %sign3A_148 = arith.cmpi slt, %scan3A_141, %sign3A_147 : i32
          %sign3A_149 = arith.extui %sign3A_148 : i1 to i32
          %sign3A_150 = arith.subi %sign3A_146, %sign3A_149 : i32
          %sign3A_151 = arith.constant 0 : i32
          %sign3A_152 = arith.cmpi sgt, %jit3A_142, %sign3A_151 : i32
          %sign3A_153 = arith.extui %sign3A_152 : i1 to i32
          %sign3A_154 = arith.constant 0 : i32
          %sign3A_155 = arith.cmpi slt, %jit3A_142, %sign3A_154 : i32
          %sign3A_156 = arith.extui %sign3A_155 : i1 to i32
          %sign3A_157 = arith.subi %sign3A_153, %sign3A_156 : i32
          %ne3A_158 = arith.cmpi ne, %sign3A_150, %sign3A_157 : i32
          %rem3A_159 = arith.remsi %scan3A_141, %jit3A_142 : i32
          %ne3A_160 = arith.constant 0 : i32
          %ne3A_161 = arith.cmpi ne, %rem3A_159, %ne3A_160 : i32
          %and3A_162 = arith.andi %ne3A_158, %ne3A_161 : i1
          %sub3A_163 = arith.constant 1 : i32
          %sub3A_164 = arith.subi %div3A_143, %sub3A_163 : i32
          %select_n3A_165 = arith.select %and3A_162, %sub3A_164, %div3A_143 : i32
          %jit3A_166 = arith.constant 8 : i32
          %eq3A_167 = arith.constant 0 : i32
          %eq3A_168 = arith.cmpi eq, %jit3A_166, %eq3A_167 : i32
          %jit3A_169 = arith.constant 1 : i32
          %select_n3A_170 = arith.select %eq3A_168, %jit3A_169, %jit3A_166 : i32
          %rem3A_171 = arith.remsi %scan3A_141, %select_n3A_170 : i32
          %ne3A_172 = arith.constant 0 : i32
          %ne3A_173 = arith.cmpi ne, %rem3A_171, %ne3A_172 : i32
          %lt3A_174 = arith.constant 0 : i32
          %lt3A_175 = arith.cmpi slt, %rem3A_171, %lt3A_174 : i32
          %lt3A_176 = arith.constant 0 : i32
          %lt3A_177 = arith.cmpi slt, %select_n3A_170, %lt3A_176 : i32
          %ne3A_178 = arith.xori %lt3A_175, %lt3A_177 : i1
          %and3A_179 = arith.andi %ne3A_178, %ne3A_173 : i1
          %add3A_180 = arith.addi %rem3A_171, %select_n3A_170 : i32
          %select_n3A_181 = arith.select %and3A_179, %add3A_180, %rem3A_171 : i32
          %mul3A_182 = arith.constant 16 : i32
          %mul3A_183 = arith.muli %select_n3A_181, %mul3A_182 : i32
          %get3A = arith.index_cast %select_n3A_165 : i32 to index
          %get3A_184 = arith.index_cast %mul3A_183 : i32 to index
          %get3A_185 = tpu.vector_load %arg5[%get3A, %get3A_184] {strides = array<i32>} : memref<8x128xi32, #tpu.memory_space<vmem>>, vector<16xi32>,
          %sub3A_186 = vector.broadcast %mul3A_134 : i32 to vector<16xi32>
          %sub3A_187 = arith.subi %get3A_185, %sub3A_186 : vector<16xi32>
          %ge3A = arith.constant 0 : i32
          %ge3A_188 = vector.broadcast %ge3A : i32 to vector<16xi32>
          %ge3A_189 = arith.cmpi sge, %sub3A_187, %ge3A_188 : vector<16xi32>
          %lt3A_190 = arith.constant 40 : i32
          %lt3A_191 = vector.broadcast %lt3A_190 : i32 to vector<16xi32>
          %lt3A_192 = arith.cmpi slt, %sub3A_187, %lt3A_191 : vector<16xi32>
          %and3A_193 = arith.andi %ge3A_189, %lt3A_192 : vector<16xi1>
          %jit3A_194 = arith.constant 0 : i32
          %jit3A_195 = arith.constant 39 : i32
          %max3A = vector.broadcast %jit3A_194 : i32 to vector<16xi32>
          %max3A_196 = arith.maxsi %max3A, %sub3A_187 : vector<16xi32>
          %min3A = vector.broadcast %jit3A_195 : i32 to vector<16xi32>
          %min3A_197 = arith.minsi %min3A, %max3A_196 : vector<16xi32>
          %jit3A_198 = arith.constant 8 : i32
          %div3A_199 = arith.divsi %scan3A_141, %jit3A_198 : i32
          %sign3A_200 = arith.constant 0 : i32
          %sign3A_201 = arith.cmpi sgt, %scan3A_141, %sign3A_200 : i32
          %sign3A_202 = arith.extui %sign3A_201 : i1 to i32
          %sign3A_203 = arith.constant 0 : i32
          %sign3A_204 = arith.cmpi slt, %scan3A_141, %sign3A_203 : i32
          %sign3A_205 = arith.extui %sign3A_204 : i1 to i32
          %sign3A_206 = arith.subi %sign3A_202, %sign3A_205 : i32
          %sign3A_207 = arith.constant 0 : i32
          %sign3A_208 = arith.cmpi sgt, %jit3A_198, %sign3A_207 : i32
          %sign3A_209 = arith.extui %sign3A_208 : i1 to i32
          %sign3A_210 = arith.constant 0 : i32
          %sign3A_211 = arith.cmpi slt, %jit3A_198, %sign3A_210 : i32
          %sign3A_212 = arith.extui %sign3A_211 : i1 to i32
          %sign3A_213 = arith.subi %sign3A_209, %sign3A_212 : i32
          %ne3A_214 = arith.cmpi ne, %sign3A_206, %sign3A_213 : i32
          %rem3A_215 = arith.remsi %scan3A_141, %jit3A_198 : i32
          %ne3A_216 = arith.constant 0 : i32
          %ne3A_217 = arith.cmpi ne, %rem3A_215, %ne3A_216 : i32
          %and3A_218 = arith.andi %ne3A_214, %ne3A_217 : i1
          %sub3A_219 = arith.constant 1 : i32
          %sub3A_220 = arith.subi %div3A_199, %sub3A_219 : i32
          %select_n3A_221 = arith.select %and3A_218, %sub3A_220, %div3A_199 : i32
          %mul3A_222 = arith.constant 128 : i32
          %mul3A_223 = arith.muli %select_n3A_221, %mul3A_222 : i32
          %jit3A_224 = arith.constant 8 : i32
          %eq3A_225 = arith.constant 0 : i32
          %eq3A_226 = arith.cmpi eq, %jit3A_224, %eq3A_225 : i32
          %jit3A_227 = arith.constant 1 : i32
          %select_n3A_228 = arith.select %eq3A_226, %jit3A_227, %jit3A_224 : i32
          %rem3A_229 = arith.remsi %scan3A_141, %select_n3A_228 : i32
          %ne3A_230 = arith.constant 0 : i32
          %ne3A_231 = arith.cmpi ne, %rem3A_229, %ne3A_230 : i32
          %lt3A_232 = arith.constant 0 : i32
          %lt3A_233 = arith.cmpi slt, %rem3A_229, %lt3A_232 : i32
          %lt3A_234 = arith.constant 0 : i32
          %lt3A_235 = arith.cmpi slt, %select_n3A_228, %lt3A_234 : i32
          %ne3A_236 = arith.xori %lt3A_233, %lt3A_235 : i1
          %and3A_237 = arith.andi %ne3A_236, %ne3A_231 : i1
          %add3A_238 = arith.addi %rem3A_229, %select_n3A_228 : i32
          %select_n3A_239 = arith.select %and3A_237, %add3A_238, %rem3A_229 : i32
          %mul3A_240 = arith.constant 16 : i32
          %mul3A_241 = arith.muli %select_n3A_239, %mul3A_240 : i32
          %add3A_242 = arith.addi %mul3A_223, %mul3A_241 : i32
          %add3A_243 = vector.broadcast %add3A_242 : i32 to vector<16xi32>
          %add3A_244 = arith.addi %add3A_243, %iota3A : vector<16xi32>
          tpu.vector_store_idx %arg7[%min3A_197, %add3A_244], %broadcast_in_dim3A_3 masked %and3A_193 : memref<40x1024xf32, #tpu.memory_space<vmem>>[vector<16xi32>, vector<16xi32>], vector<16xf32>, vector<16xi1>
        }
        %scan3A_140 = arith.constant 64 : i32
      } else {
      }
      %lt3A_105 = arith.cmpi slt, %add3A_95, %select_n3A_49 : i32
      %convert_element_type3A_106 = arith.extui %lt3A_105 : i1 to i32
      %cond3A_107 = arith.constant 0 : i32
      %cond3A_108 = arith.cmpi ne, %convert_element_type3A_106, %cond3A_107 : i32
      scf.if %cond3A_108 {
        %eq3A = arith.constant 0 : i32
        %eq3A_109 = arith.cmpi eq, %scan3A_78, %eq3A : i32
        %jit3A_110 = arith.constant 25 : i32
        %div3A_111 = arith.divsi %add3A_95, %jit3A_110 : i32
        %sign3A_112 = arith.constant 0 : i32
        %sign3A_113 = arith.cmpi sgt, %add3A_95, %sign3A_112 : i32
        %sign3A_114 = arith.extui %sign3A_113 : i1 to i32
        %sign3A_115 = arith.constant 0 : i32
        %sign3A_116 = arith.cmpi slt, %add3A_95, %sign3A_115 : i32
        %sign3A_117 = arith.extui %sign3A_116 : i1 to i32
        %sign3A_118 = arith.subi %sign3A_114, %sign3A_117 : i32
        %sign3A_119 = arith.constant 0 : i32
        %sign3A_120 = arith.cmpi sgt, %jit3A_110, %sign3A_119 : i32
        %sign3A_121 = arith.extui %sign3A_120 : i1 to i32
        %sign3A_122 = arith.constant 0 : i32
        %sign3A_123 = arith.cmpi slt, %jit3A_110, %sign3A_122 : i32
        %sign3A_124 = arith.extui %sign3A_123 : i1 to i32
        %sign3A_125 = arith.subi %sign3A_121, %sign3A_124 : i32
        %ne3A_126 = arith.cmpi ne, %sign3A_118, %sign3A_125 : i32
        %rem3A_127 = arith.remsi %add3A_95, %jit3A_110 : i32
        %ne3A_128 = arith.constant 0 : i32
        %ne3A_129 = arith.cmpi ne, %rem3A_127, %ne3A_128 : i32
        %and3A_130 = arith.andi %ne3A_126, %ne3A_129 : i1
        %sub3A_131 = arith.constant 1 : i32
        %sub3A_132 = arith.subi %div3A_111, %sub3A_131 : i32
        %select_n3A_133 = arith.select %and3A_130, %sub3A_132, %div3A_111 : i32
        %jit3A_134 = arith.constant 25 : i32
        %div3A_135 = arith.divsi %sub3A_97, %jit3A_134 : i32
        %sign3A_136 = arith.constant 0 : i32
        %sign3A_137 = arith.cmpi sgt, %sub3A_97, %sign3A_136 : i32
        %sign3A_138 = arith.extui %sign3A_137 : i1 to i32
        %sign3A_139 = arith.constant 0 : i32
        %sign3A_140 = arith.cmpi slt, %sub3A_97, %sign3A_139 : i32
        %sign3A_141 = arith.extui %sign3A_140 : i1 to i32
        %sign3A_142 = arith.subi %sign3A_138, %sign3A_141 : i32
        %sign3A_143 = arith.constant 0 : i32
        %sign3A_144 = arith.cmpi sgt, %jit3A_134, %sign3A_143 : i32
        %sign3A_145 = arith.extui %sign3A_144 : i1 to i32
        %sign3A_146 = arith.constant 0 : i32
        %sign3A_147 = arith.cmpi slt, %jit3A_134, %sign3A_146 : i32
        %sign3A_148 = arith.extui %sign3A_147 : i1 to i32
        %sign3A_149 = arith.subi %sign3A_145, %sign3A_148 : i32
        %ne3A_150 = arith.cmpi ne, %sign3A_142, %sign3A_149 : i32
        %rem3A_151 = arith.remsi %sub3A_97, %jit3A_134 : i32
        %ne3A_152 = arith.constant 0 : i32
        %ne3A_153 = arith.cmpi ne, %rem3A_151, %ne3A_152 : i32
        %and3A_154 = arith.andi %ne3A_150, %ne3A_153 : i1
        %sub3A_155 = arith.constant 1 : i32
        %sub3A_156 = arith.subi %div3A_135, %sub3A_155 : i32
        %select_n3A_157 = arith.select %and3A_154, %sub3A_156, %div3A_135 : i32
        %ne3A_158 = arith.cmpi ne, %select_n3A_133, %select_n3A_157 : i32
        %or3A = arith.ori %eq3A_109, %ne3A_158 : i1
        %convert_element_type3A_159 = arith.extui %or3A : i1 to i32
        %cond3A_160 = arith.constant 0 : i32
        %cond3A_161 = arith.cmpi ne, %convert_element_type3A_159, %cond3A_160 : i32
        scf.if %cond3A_161 {
          %jit3A_233 = arith.constant 25 : i32
          %div3A_234 = arith.divsi %add3A_95, %jit3A_233 : i32
          %sign3A_235 = arith.constant 0 : i32
          %sign3A_236 = arith.cmpi sgt, %add3A_95, %sign3A_235 : i32
          %sign3A_237 = arith.extui %sign3A_236 : i1 to i32
          %sign3A_238 = arith.constant 0 : i32
          %sign3A_239 = arith.cmpi slt, %add3A_95, %sign3A_238 : i32
          %sign3A_240 = arith.extui %sign3A_239 : i1 to i32
          %sign3A_241 = arith.subi %sign3A_237, %sign3A_240 : i32
          %sign3A_242 = arith.constant 0 : i32
          %sign3A_243 = arith.cmpi sgt, %jit3A_233, %sign3A_242 : i32
          %sign3A_244 = arith.extui %sign3A_243 : i1 to i32
          %sign3A_245 = arith.constant 0 : i32
          %sign3A_246 = arith.cmpi slt, %jit3A_233, %sign3A_245 : i32
          %sign3A_247 = arith.extui %sign3A_246 : i1 to i32
          %sign3A_248 = arith.subi %sign3A_244, %sign3A_247 : i32
          %ne3A_249 = arith.cmpi ne, %sign3A_241, %sign3A_248 : i32
          %rem3A_250 = arith.remsi %add3A_95, %jit3A_233 : i32
          %ne3A_251 = arith.constant 0 : i32
          %ne3A_252 = arith.cmpi ne, %rem3A_250, %ne3A_251 : i32
          %and3A_253 = arith.andi %ne3A_249, %ne3A_252 : i1
          %sub3A_254 = arith.constant 1 : i32
          %sub3A_255 = arith.subi %div3A_234, %sub3A_254 : i32
          %select_n3A_256 = arith.select %and3A_253, %sub3A_255, %div3A_234 : i32
          "tpu.region"() ({
            %run_scoped3A = tpu.sem_alloc : memref<!tpu.dma_semaphore, #tpu.memory_space<semaphore_mem>>
            %dma_start3A_257 = arith.constant 0 : i32
            %dma_start3A_258 = arith.constant 0 : i32
            %dma_start3A_259 = tpu.memref_slice %arg2[%select_n3A_256, %dma_start3A_257, %dma_start3A_258] : memref<50x8x128xi32, #tpu.memory_space<hbm>> -> memref<1x8x128xi32, #tpu.memory_space<hbm>>
            %dma_start3A_260 = tpu.memref_squeeze %dma_start3A_259 : memref<1x8x128xi32, #tpu.memory_space<hbm>> -> memref<8x128xi32, #tpu.memory_space<hbm>>
            %dma_start3A_261 = arith.constant 0 : i32
            %dma_start3A_262 = arith.constant 0 : i32
            %dma_start3A_263 = tpu.memref_slice %arg2[%select_n3A_256, %dma_start3A_261, %dma_start3A_262] : memref<50x8x128xi32, #tpu.memory_space<hbm>> -> memref<1x8x128xi32, #tpu.memory_space<hbm>>
            %dma_start3A_264 = tpu.memref_squeeze %dma_start3A_263 : memref<1x8x128xi32, #tpu.memory_space<hbm>> -> memref<8x128xi32, #tpu.memory_space<hbm>>
            tpu.enqueue_dma source(%dma_start3A_264 : memref<8x128xi32, #tpu.memory_space<hbm>>) target(%arg5 : memref<8x128xi32, #tpu.memory_space<vmem>>) target_semaphore(%run_scoped3A : memref<!tpu.dma_semaphore, #tpu.memory_space<semaphore_mem>>)
            %dma_wait3A_265 = arith.constant 0 : i32
            %dma_wait3A_266 = arith.constant 0 : i32
            %dma_wait3A_267 = tpu.memref_slice %arg2[%select_n3A_256, %dma_wait3A_265, %dma_wait3A_266] : memref<50x8x128xi32, #tpu.memory_space<hbm>> -> memref<1x8x128xi32, #tpu.memory_space<hbm>>
            %dma_wait3A_268 = tpu.memref_squeeze %dma_wait3A_267 : memref<1x8x128xi32, #tpu.memory_space<hbm>> -> memref<8x128xi32, #tpu.memory_space<hbm>>
            %dma_wait3A_269 = arith.constant 0 : i32
            %dma_wait3A_270 = arith.constant 0 : i32
            %dma_wait3A_271 = tpu.memref_slice %arg2[%select_n3A_256, %dma_wait3A_269, %dma_wait3A_270] : memref<50x8x128xi32, #tpu.memory_space<hbm>> -> memref<1x8x128xi32, #tpu.memory_space<hbm>>
            %dma_wait3A_272 = tpu.memref_squeeze %dma_wait3A_271 : memref<1x8x128xi32, #tpu.memory_space<hbm>> -> memref<8x128xi32, #tpu.memory_space<hbm>>
            tpu.wait_dma2 semaphore(%run_scoped3A : memref<!tpu.dma_semaphore, #tpu.memory_space<semaphore_mem>>) src(%dma_wait3A_272 : memref<8x128xi32, #tpu.memory_space<hbm>>) dst(%arg5 : memref<8x128xi32, #tpu.memory_space<vmem>>)
            tpu.yield
          }) : () -> ()
        } else {
        }
        %jit3A_162 = arith.constant 25 : i32
        %eq3A_163 = arith.constant 0 : i32
        %eq3A_164 = arith.cmpi eq, %jit3A_162, %eq3A_163 : i32
        %jit3A_165 = arith.constant 1 : i32
        %select_n3A_166 = arith.select %eq3A_164, %jit3A_165, %jit3A_162 : i32
        %rem3A_167 = arith.remsi %add3A_95, %select_n3A_166 : i32
        %ne3A_168 = arith.constant 0 : i32
        %ne3A_169 = arith.cmpi ne, %rem3A_167, %ne3A_168 : i32
        %lt3A_170 = arith.constant 0 : i32
        %lt3A_171 = arith.cmpi slt, %rem3A_167, %lt3A_170 : i32
        %lt3A_172 = arith.constant 0 : i32
        %lt3A_173 = arith.cmpi slt, %select_n3A_166, %lt3A_172 : i32
        %ne3A_174 = arith.xori %lt3A_171, %lt3A_173 : i1
        %and3A_175 = arith.andi %ne3A_174, %ne3A_169 : i1
        %add3A_176 = arith.addi %rem3A_167, %select_n3A_166 : i32
        %select_n3A_177 = arith.select %and3A_175, %add3A_176, %rem3A_167 : i32
        %mul3A_178 = arith.constant 40 : i32
        %mul3A_179 = arith.muli %select_n3A_177, %mul3A_178 : i32
        %scan3A_180 = arith.constant 0 : i32
        %scan3A_181 = arith.constant 0 : i32
        %scan3A_182 = arith.constant 64 : i32
        %scan3A_183 = arith.addi %scan3A_181, %scan3A_182 : i32
        %scan3A_184 = arith.constant 1 : i32
        scf.for %scan3A_233 = %scan3A_181 to %scan3A_183 step %scan3A_184  : i32 {
          %jit3A_234 = arith.constant 8 : i32
          %div3A_235 = arith.divsi %scan3A_233, %jit3A_234 : i32
          %sign3A_236 = arith.constant 0 : i32
          %sign3A_237 = arith.cmpi sgt, %scan3A_233, %sign3A_236 : i32
          %sign3A_238 = arith.extui %sign3A_237 : i1 to i32
          %sign3A_239 = arith.constant 0 : i32
          %sign3A_240 = arith.cmpi slt, %scan3A_233, %sign3A_239 : i32
          %sign3A_241 = arith.extui %sign3A_240 : i1 to i32
          %sign3A_242 = arith.subi %sign3A_238, %sign3A_241 : i32
          %sign3A_243 = arith.constant 0 : i32
          %sign3A_244 = arith.cmpi sgt, %jit3A_234, %sign3A_243 : i32
          %sign3A_245 = arith.extui %sign3A_244 : i1 to i32
          %sign3A_246 = arith.constant 0 : i32
          %sign3A_247 = arith.cmpi slt, %jit3A_234, %sign3A_246 : i32
          %sign3A_248 = arith.extui %sign3A_247 : i1 to i32
          %sign3A_249 = arith.subi %sign3A_245, %sign3A_248 : i32
          %ne3A_250 = arith.cmpi ne, %sign3A_242, %sign3A_249 : i32
          %rem3A_251 = arith.remsi %scan3A_233, %jit3A_234 : i32
          %ne3A_252 = arith.constant 0 : i32
          %ne3A_253 = arith.cmpi ne, %rem3A_251, %ne3A_252 : i32
          %and3A_254 = arith.andi %ne3A_250, %ne3A_253 : i1
          %sub3A_255 = arith.constant 1 : i32
          %sub3A_256 = arith.subi %div3A_235, %sub3A_255 : i32
          %select_n3A_257 = arith.select %and3A_254, %sub3A_256, %div3A_235 : i32
          %jit3A_258 = arith.constant 8 : i32
          %eq3A_259 = arith.constant 0 : i32
          %eq3A_260 = arith.cmpi eq, %jit3A_258, %eq3A_259 : i32
          %jit3A_261 = arith.constant 1 : i32
          %select_n3A_262 = arith.select %eq3A_260, %jit3A_261, %jit3A_258 : i32
          %rem3A_263 = arith.remsi %scan3A_233, %select_n3A_262 : i32
          %ne3A_264 = arith.constant 0 : i32
          %ne3A_265 = arith.cmpi ne, %rem3A_263, %ne3A_264 : i32
          %lt3A_266 = arith.constant 0 : i32
          %lt3A_267 = arith.cmpi slt, %rem3A_263, %lt3A_266 : i32
          %lt3A_268 = arith.constant 0 : i32
          %lt3A_269 = arith.cmpi slt, %select_n3A_262, %lt3A_268 : i32
          %ne3A_270 = arith.xori %lt3A_267, %lt3A_269 : i1
          %and3A_271 = arith.andi %ne3A_270, %ne3A_265 : i1
          %add3A_272 = arith.addi %rem3A_263, %select_n3A_262 : i32
          %select_n3A_273 = arith.select %and3A_271, %add3A_272, %rem3A_263 : i32
          %mul3A_274 = arith.constant 16 : i32
          %mul3A_275 = arith.muli %select_n3A_273, %mul3A_274 : i32
          %get3A = arith.index_cast %select_n3A_257 : i32 to index
          %get3A_276 = arith.index_cast %mul3A_275 : i32 to index
          %get3A_277 = tpu.vector_load %arg5[%get3A, %get3A_276] {strides = array<i32>} : memref<8x128xi32, #tpu.memory_space<vmem>>, vector<16xi32>,
          %sub3A_278 = vector.broadcast %mul3A_179 : i32 to vector<16xi32>
          %sub3A_279 = arith.subi %get3A_277, %sub3A_278 : vector<16xi32>
          %ge3A = arith.constant 0 : i32
          %ge3A_280 = vector.broadcast %ge3A : i32 to vector<16xi32>
          %ge3A_281 = arith.cmpi sge, %sub3A_279, %ge3A_280 : vector<16xi32>
          %lt3A_282 = arith.constant 40 : i32
          %lt3A_283 = vector.broadcast %lt3A_282 : i32 to vector<16xi32>
          %lt3A_284 = arith.cmpi slt, %sub3A_279, %lt3A_283 : vector<16xi32>
          %and3A_285 = arith.andi %ge3A_281, %lt3A_284 : vector<16xi1>
          %jit3A_286 = arith.constant 0 : i32
          %jit3A_287 = arith.constant 39 : i32
          %max3A = vector.broadcast %jit3A_286 : i32 to vector<16xi32>
          %max3A_288 = arith.maxsi %max3A, %sub3A_279 : vector<16xi32>
          %min3A = vector.broadcast %jit3A_287 : i32 to vector<16xi32>
          %min3A_289 = arith.minsi %min3A, %max3A_288 : vector<16xi32>
          %jit3A_290 = arith.constant 8 : i32
          %div3A_291 = arith.divsi %scan3A_233, %jit3A_290 : i32
          %sign3A_292 = arith.constant 0 : i32
          %sign3A_293 = arith.cmpi sgt, %scan3A_233, %sign3A_292 : i32
          %sign3A_294 = arith.extui %sign3A_293 : i1 to i32
          %sign3A_295 = arith.constant 0 : i32
          %sign3A_296 = arith.cmpi slt, %scan3A_233, %sign3A_295 : i32
          %sign3A_297 = arith.extui %sign3A_296 : i1 to i32
          %sign3A_298 = arith.subi %sign3A_294, %sign3A_297 : i32
          %sign3A_299 = arith.constant 0 : i32
          %sign3A_300 = arith.cmpi sgt, %jit3A_290, %sign3A_299 : i32
          %sign3A_301 = arith.extui %sign3A_300 : i1 to i32
          %sign3A_302 = arith.constant 0 : i32
          %sign3A_303 = arith.cmpi slt, %jit3A_290, %sign3A_302 : i32
          %sign3A_304 = arith.extui %sign3A_303 : i1 to i32
          %sign3A_305 = arith.subi %sign3A_301, %sign3A_304 : i32
          %ne3A_306 = arith.cmpi ne, %sign3A_298, %sign3A_305 : i32
          %rem3A_307 = arith.remsi %scan3A_233, %jit3A_290 : i32
          %ne3A_308 = arith.constant 0 : i32
          %ne3A_309 = arith.cmpi ne, %rem3A_307, %ne3A_308 : i32
          %and3A_310 = arith.andi %ne3A_306, %ne3A_309 : i1
          %sub3A_311 = arith.constant 1 : i32
          %sub3A_312 = arith.subi %div3A_291, %sub3A_311 : i32
          %select_n3A_313 = arith.select %and3A_310, %sub3A_312, %div3A_291 : i32
          %mul3A_314 = arith.constant 128 : i32
          %mul3A_315 = arith.muli %select_n3A_313, %mul3A_314 : i32
          %jit3A_316 = arith.constant 8 : i32
          %eq3A_317 = arith.constant 0 : i32
          %eq3A_318 = arith.cmpi eq, %jit3A_316, %eq3A_317 : i32
          %jit3A_319 = arith.constant 1 : i32
          %select_n3A_320 = arith.select %eq3A_318, %jit3A_319, %jit3A_316 : i32
          %rem3A_321 = arith.remsi %scan3A_233, %select_n3A_320 : i32
          %ne3A_322 = arith.constant 0 : i32
          %ne3A_323 = arith.cmpi ne, %rem3A_321, %ne3A_322 : i32
          %lt3A_324 = arith.constant 0 : i32
          %lt3A_325 = arith.cmpi slt, %rem3A_321, %lt3A_324 : i32
          %lt3A_326 = arith.constant 0 : i32
          %lt3A_327 = arith.cmpi slt, %select_n3A_320, %lt3A_326 : i32
          %ne3A_328 = arith.xori %lt3A_325, %lt3A_327 : i1
          %and3A_329 = arith.andi %ne3A_328, %ne3A_323 : i1
          %add3A_330 = arith.addi %rem3A_321, %select_n3A_320 : i32
          %select_n3A_331 = arith.select %and3A_329, %add3A_330, %rem3A_321 : i32
          %mul3A_332 = arith.constant 16 : i32
          %mul3A_333 = arith.muli %select_n3A_331, %mul3A_332 : i32
          %add3A_334 = arith.addi %mul3A_315, %mul3A_333 : i32
          %add3A_335 = vector.broadcast %add3A_334 : i32 to vector<16xi32>
          %add3A_336 = arith.addi %add3A_335, %iota3A : vector<16xi32>
          tpu.vector_store_idx %arg7[%min3A_289, %add3A_336], %broadcast_in_dim3A_1 masked %and3A_285 : memref<40x1024xf32, #tpu.memory_space<vmem>>[vector<16xi32>, vector<16xi32>], vector<16xf32>, vector<16xi1>
        }
        %scan3A_185 = arith.constant 64 : i32
        %jit3A_186 = arith.constant 25 : i32
        %div3A_187 = arith.divsi %add3A_95, %jit3A_186 : i32
        %sign3A_188 = arith.constant 0 : i32
        %sign3A_189 = arith.cmpi sgt, %add3A_95, %sign3A_188 : i32
        %sign3A_190 = arith.extui %sign3A_189 : i1 to i32
        %sign3A_191 = arith.constant 0 : i32
        %sign3A_192 = arith.cmpi slt, %add3A_95, %sign3A_191 : i32
        %sign3A_193 = arith.extui %sign3A_192 : i1 to i32
        %sign3A_194 = arith.subi %sign3A_190, %sign3A_193 : i32
        %sign3A_195 = arith.constant 0 : i32
        %sign3A_196 = arith.cmpi sgt, %jit3A_186, %sign3A_195 : i32
        %sign3A_197 = arith.extui %sign3A_196 : i1 to i32
        %sign3A_198 = arith.constant 0 : i32
        %sign3A_199 = arith.cmpi slt, %jit3A_186, %sign3A_198 : i32
        %sign3A_200 = arith.extui %sign3A_199 : i1 to i32
        %sign3A_201 = arith.subi %sign3A_197, %sign3A_200 : i32
        %ne3A_202 = arith.cmpi ne, %sign3A_194, %sign3A_201 : i32
        %rem3A_203 = arith.remsi %add3A_95, %jit3A_186 : i32
        %ne3A_204 = arith.constant 0 : i32
        %ne3A_205 = arith.cmpi ne, %rem3A_203, %ne3A_204 : i32
        %and3A_206 = arith.andi %ne3A_202, %ne3A_205 : i1
        %sub3A_207 = arith.constant 1 : i32
        %sub3A_208 = arith.subi %div3A_187, %sub3A_207 : i32
        %select_n3A_209 = arith.select %and3A_206, %sub3A_208, %div3A_187 : i32
        %jit3A_210 = arith.constant 25 : i32
        %eq3A_211 = arith.constant 0 : i32
        %eq3A_212 = arith.cmpi eq, %jit3A_210, %eq3A_211 : i32
        %jit3A_213 = arith.constant 1 : i32
        %select_n3A_214 = arith.select %eq3A_212, %jit3A_213, %jit3A_210 : i32
        %rem3A_215 = arith.remsi %add3A_95, %select_n3A_214 : i32
        %ne3A_216 = arith.constant 0 : i32
        %ne3A_217 = arith.cmpi ne, %rem3A_215, %ne3A_216 : i32
        %lt3A_218 = arith.constant 0 : i32
        %lt3A_219 = arith.cmpi slt, %rem3A_215, %lt3A_218 : i32
        %lt3A_220 = arith.constant 0 : i32
        %lt3A_221 = arith.cmpi slt, %select_n3A_214, %lt3A_220 : i32
        %ne3A_222 = arith.xori %lt3A_219, %lt3A_221 : i1
        %and3A_223 = arith.andi %ne3A_222, %ne3A_217 : i1
        %add3A_224 = arith.addi %rem3A_215, %select_n3A_214 : i32
        %select_n3A_225 = arith.select %and3A_223, %add3A_224, %rem3A_215 : i32
        %mul3A_226 = arith.constant 40 : i32
        %mul3A_227 = arith.muli %select_n3A_225, %mul3A_226 : i32
        %multiple_of3A = tpu.assume_multiple %mul3A_227, 40 : i32
        %dma_start3A = arith.constant 0 : i32
        %dma_start3A_228 = tpu.memref_slice %arg3[%select_n3A_209, %multiple_of3A, %dma_start3A] : memref<50x1000x1024xf32, #tpu.memory_space<hbm>> -> memref<1x40x1024xf32, #tpu.memory_space<hbm>>
        %dma_start3A_229 = tpu.memref_squeeze %dma_start3A_228 : memref<1x40x1024xf32, #tpu.memory_space<hbm>> -> memref<40x1024xf32, #tpu.memory_space<hbm>>
        %dma_start3A_230 = arith.constant 0 : i32
        %dma_start3A_231 = tpu.memref_slice %arg3[%select_n3A_209, %multiple_of3A, %dma_start3A_230] : memref<50x1000x1024xf32, #tpu.memory_space<hbm>> -> memref<1x40x1024xf32, #tpu.memory_space<hbm>>
        %dma_start3A_232 = tpu.memref_squeeze %dma_start3A_231 : memref<1x40x1024xf32, #tpu.memory_space<hbm>> -> memref<40x1024xf32, #tpu.memory_space<hbm>>
        tpu.enqueue_dma source(%arg7 : memref<40x1024xf32, #tpu.memory_space<vmem>>) target(%dma_start3A_232 : memref<40x1024xf32, #tpu.memory_space<hbm>>) target_semaphore(%arg9 : memref<!tpu.dma_semaphore, #tpu.memory_space<semaphore_mem>>)
      } else {
      }
    }
    %scan3A_60 = arith.constant 20 : i32
    %dma_wait3A = arith.constant 0 : i32
    %dma_wait3A_61 = arith.constant 0 : i32
    %dma_wait3A_62 = arith.constant 0 : i32
    %dma_wait3A_63 = tpu.memref_slice %arg3[%dma_wait3A, %dma_wait3A_61, %dma_wait3A_62] : memref<50x1000x1024xf32, #tpu.memory_space<hbm>> -> memref<1x40x1024xf32, #tpu.memory_space<hbm>>
    %dma_wait3A_64 = tpu.memref_squeeze %dma_wait3A_63 : memref<1x40x1024xf32, #tpu.memory_space<hbm>> -> memref<40x1024xf32, #tpu.memory_space<hbm>>
    %dma_wait3A_65 = arith.constant 0 : i32
    %dma_wait3A_66 = arith.constant 0 : i32
    %dma_wait3A_67 = tpu.memref_slice %arg3[%dma_wait3A, %dma_wait3A_65, %dma_wait3A_66] : memref<50x1000x1024xf32, #tpu.memory_space<hbm>> -> memref<1x40x1024xf32, #tpu.memory_space<hbm>>
    %dma_wait3A_68 = tpu.memref_squeeze %dma_wait3A_67 : memref<1x40x1024xf32, #tpu.memory_space<hbm>> -> memref<40x1024xf32, #tpu.memory_space<hbm>>
    tpu.wait_dma2 semaphore(%arg8 : memref<!tpu.dma_semaphore, #tpu.memory_space<semaphore_mem>>) src(%arg6 : memref<40x1024xf32, #tpu.memory_space<vmem>>) dst(%dma_wait3A_68 : memref<40x1024xf32, #tpu.memory_space<hbm>>)
    %dma_wait3A_69 = arith.constant 0 : i32
    %dma_wait3A_70 = arith.constant 0 : i32
    %dma_wait3A_71 = arith.constant 0 : i32
    %dma_wait3A_72 = tpu.memref_slice %arg3[%dma_wait3A_69, %dma_wait3A_70, %dma_wait3A_71] : memref<50x1000x1024xf32, #tpu.memory_space<hbm>> -> memref<1x40x1024xf32, #tpu.memory_space<hbm>>
    %dma_wait3A_73 = tpu.memref_squeeze %dma_wait3A_72 : memref<1x40x1024xf32, #tpu.memory_space<hbm>> -> memref<40x1024xf32, #tpu.memory_space<hbm>>
    %dma_wait3A_74 = arith.constant 0 : i32
    %dma_wait3A_75 = arith.constant 0 : i32
    %dma_wait3A_76 = tpu.memref_slice %arg3[%dma_wait3A_69, %dma_wait3A_74, %dma_wait3A_75] : memref<50x1000x1024xf32, #tpu.memory_space<hbm>> -> memref<1x40x1024xf32, #tpu.memory_space<hbm>>
    %dma_wait3A_77 = tpu.memref_squeeze %dma_wait3A_76 : memref<1x40x1024xf32, #tpu.memory_space<hbm>> -> memref<40x1024xf32, #tpu.memory_space<hbm>>
    tpu.wait_dma2 semaphore(%arg9 : memref<!tpu.dma_semaphore, #tpu.memory_space<semaphore_mem>>) src(%arg7 : memref<40x1024xf32, #tpu.memory_space<vmem>>) dst(%dma_wait3A_77 : memref<40x1024xf32, #tpu.memory_space<hbm>>)
    return
  }
}

</mosaic_0001>

<sc_bundles>
// kernel: kernel.3.cloned.1.call-start
scs
__scs_entry_jumppad:
0x0: {  	(pc) =	sbr.rel $0x88, $3  }
0x1: {  	(tag) =	ssettag $0x0;
	lr =	simm.s32 $0x1  }
0x2: {  	[smem:$0x3FA0] =	sst lr;
	_ =	strace $0xD0000000  }
0x3: {  	_ = 	snop  }
0x4: {  	_ = 	snop  }
0x5: {  	_ = 	snop  }
0x6: {  	_ = 	snop  }
0x7: {  	_ = 	snop  }
__scs_overlays_trampoline_lowered:
0x8: {  	[smem:$0x3FAF] =	sst s0  }
0x9: {  	[smem:$0x3FB0] =	sst s1  }
0xa: {  	[smem:$0x3FB1] =	sst s2  }
0xb: {  	[smem:$0x3FB2] =	sst s3  }
0xc: {  	[smem:$0x3FB3] =	sst s4  }
0xd: {  	[smem:$0x3FB4] =	sst s5  }
0xe: {  	[smem:$0x3FB5] =	sst s6  }
0xf: {  	[smem:$0x3FB6] =	sst s7  }
0x10: {  	[smem:$0x3FB7] =	sst s8  }
0x11: {  	[smem:$0x3FB8] =	sst s9;
	s0 =	simm.s32 @!p0 $0x0  }
0x12: {  	s1 =	sld [smem:$0x3F9E];
	s0 =	simm.s32 @p0 $0x1  }
0x13: {  	[smem:$0x3FB9] =	sst s0;
	s0 =	simm.s32 @!p1 $0x0  }
0x14: {  	s2 =	sld [smem:$0x3F9D];
	s0 =	simm.s32 @p1 $0x1  }
0x15: {  	[smem:$0x3FBA] =	sst s0;
	s0 =	simm.s32 @!p2 $0x0  }
0x16: {  	s3 =	sld [smem:$0x3FDB];
	s0 =	simm.s32 @p2 $0x1  }
0x17: {  	s4 =	simm.s32 $0x1BF5;
	[smem:$0x3FBC] =	sst s0  }
0x18: {  	s0 =	sld [smem:$0x3F9F];
	_ =	swait.ge [sflag:s4], $0x0  }
0x19: {  	s7 =	sld [smem:$0x3FA0]  }
0x1a: {  	s8 =	sadd.s32 $0xFFFFE003, lr  }
0x1b: {  	s9 =	sadd.s32 $0xFFFFFEF7, lr;
	s5 =	simm.s32 $0xFFFFFFFF;
	p2 =	slt.u32 s8, $0xFFFFF086  }
0x1c: {  	p1 =	slt.u32 s9, $0xF7A;
	s5 =	simm.s32 @!p2 $0x0  }
0x1d: {  	s5 =	simm.s32 @p1 $0x1;
	p0 =	seq.s32 s7, s2  }
0x1e: {  	s7 =	smul.u32 @!p0 $0xF7A, s2;
	p2 =	seq.s32 @!p0 s5, $0x0  }
0x1f: {  	s9 =	smul.u32 $0xF7A, s1;
	s8 =	simm.s32 @!p0 $0x1BF5;
	p2 =	por !p2, p0  }
0x20: {  	[sflag:s8] =	ssyncset.s32 @!p0 $0xFFFFF086;
	s6 =	sadd.s32 @!p0 s3, s7;
	s7 =	simm.s32 @!p0 $0x108  }
0x21: {  	s3 =	sadd.s32 s3, s9;
	s6 =	sadd.s32 @!p0 $0x88, s6;
	s7 =	simm.s32 @p2 $0x1082  }
0x22: {  	[simem:s7], [sflag:s8] =	dma.local @!p0 [hbm:s6], $0xF7A  }
0x23: {  	s9 =	sor.u32 $0xD0000000, s2;
	s6 =	simm.s32 $0x108;
	_ =	swait.ge @!p0 [sflag:s8], $0x0  }
0x24: {  	s3 =	sadd.s32 $0x88, s3;
	s6 =	simm.s32 @!p1 $0x1082;
	[sflag:s4] =	ssyncset.s32 $0xFFFFF086  }
0x25: {  	[simem:s6], [sflag:s4] =	dma.local [hbm:s3], $0xF7A  }
0x26: {  	[smem:$0x3FA0] =	sst s1;
	(tag) =	ssettag s2;
	_ =	strace s9  }
0x27: {  	s1 =	sld [smem:$0x3FB0]  }
0x28: {  	s2 =	sld [smem:$0x3FB1]  }
0x29: {  	s4 =	sld [smem:$0x3FB3]  }
0x2a: {  	p0 =	seq.s32 s5, $0x0;
	s5 =	sld [smem:$0x3FB4]  }
0x2b: {  	s6 =	sld [smem:$0x3FB5]  }
0x2c: {  	s7 =	sld [smem:$0x3FB6]  }
0x2d: {  	s3 =	simm.s32 $0x108;
	s8 =	sld [smem:$0x3FB7]  }
0x2e: {  	s3 =	simm.s32 @!p0 $0x1082;
	s9 =	sld [smem:$0x3FB8]  }
0x2f: {  	lr =	sadd.s32 s0, s3;
	s0 =	sld [smem:$0x3FAF]  }
0x30: {  	s3 =	sld [smem:$0x3FB2]  }
0x31: {  	[smem:$0x3FBB] =	sst s10  }
0x32: {  	s10 =	sld [smem:$0x3FB9];
	_ =	sdelay $0x3  }
0x33: {  	p0 =	seq.s32 s10, $0x1;
	s10 =	sld [smem:$0x3FBB];
	_ =	sdelay $0x3  }
0x34: {  	[smem:$0x3FBB] =	sst s10  }
0x35: {  	s10 =	sld [smem:$0x3FBA];
	_ =	sdelay $0x3  }
0x36: {  	p1 =	seq.s32 s10, $0x1;
	s10 =	sld [smem:$0x3FBB];
	_ =	sdelay $0x3  }
0x37: {  	[smem:$0x3FBB] =	sst s10  }
0x38: {  	s10 =	sld [smem:$0x3FBC]  }
0x39: {  	_ = 	snop;
	(pc) =	sbr.ind lr, $3  }
0x3a: {  	_ = 	snop  }
0x3b: {  	_ = 	snop  }
0x3c: {  	p2 =	seq.s32 s10, $0x1;
	s10 =	sld [smem:$0x3FBB]  }
0x3d: {  	_ =	shalt  }
0x3e: {  	_ =	shalt  }
0x3f: {  	_ =	shalt  }
0x40: {  	_ =	shalt  }
0x41: {  	_ =	shalt  }
0x42: {  	_ =	shalt  }
0x43: {  	_ =	shalt  }
0x44: {  	_ =	shalt  }
0x45: {  	_ =	shalt  }
0x46: {  	_ =	shalt  }
0x47: {  	_ =	shalt  }
0x48: {  	_ =	shalt  }
0x49: {  	_ =	shalt  }
0x4a: {  	_ =	shalt  }
0x4b: {  	_ =	shalt  }
0x4c: {  	_ =	shalt  }
0x4d: {  	_ =	shalt  }
0x4e: {  	_ =	shalt  }
0x4f: {  	_ =	shalt  }
0x50: {  	_ =	shalt  }
0x51: {  	_ =	shalt  }
0x52: {  	_ =	shalt  }
0x53: {  	_ =	shalt  }
0x54: {  	_ =	shalt  }
0x55: {  	_ =	shalt  }
0x56: {  	_ =	shalt  }
0x57: {  	_ =	shalt  }
0x58: {  	_ =	shalt  }
0x59: {  	_ =	shalt  }
0x5a: {  	_ =	shalt  }
0x5b: {  	_ =	shalt  }
0x5c: {  	_ =	shalt  }
0x5d: {  	_ =	shalt  }
0x5e: {  	_ =	shalt  }
0x5f: {  	_ =	shalt  }
0x60: {  	_ =	shalt  }
0x61: {  	_ =	shalt  }
0x62: {  	_ =	shalt  }
0x63: {  	_ =	shalt  }
0x64: {  	_ =	shalt  }
0x65: {  	_ =	shalt  }
0x66: {  	_ =	shalt  }
0x67: {  	_ =	shalt  }
0x68: {  	_ =	shalt  }
0x69: {  	_ =	shalt  }
0x6a: {  	_ =	shalt  }
0x6b: {  	_ =	shalt  }
0x6c: {  	_ =	shalt  }
0x6d: {  	_ =	shalt  }
0x6e: {  	_ =	shalt  }
0x6f: {  	_ =	shalt  }
0x70: {  	_ =	shalt  }
0x71: {  	_ =	shalt  }
0x72: {  	_ =	shalt  }
0x73: {  	_ =	shalt  }
0x74: {  	_ =	shalt  }
0x75: {  	_ =	shalt  }
0x76: {  	_ =	shalt  }
0x77: {  	_ =	shalt  }
0x78: {  	_ =	shalt  }
0x79: {  	_ =	shalt  }
0x7a: {  	_ =	shalt  }
0x7b: {  	_ =	shalt  }
0x7c: {  	_ =	shalt  }
0x7d: {  	_ =	shalt  }
0x7e: {  	_ =	shalt  }
0x7f: {  	_ =	shalt  }
0x80: {  	_ =	shalt  }
0x81: {  	_ =	shalt  }
0x82: {  	_ =	shalt  }
0x83: {  	_ =	shalt  }
0x84: {  	_ =	shalt  }
0x85: {  	_ =	shalt  }
0x86: {  	_ =	shalt  }
0x87: {  	_ =	shalt  }
.Lfunc_end0:
.L_simem_size_0:
called_computation_lowered:
.L_overlay_start_0:
0x88: {  	s2 =	sld [smem:$0x3FD9]  }
0x89: {  	s3 =	sld [smem:$0x3FFE];
	_ =	sdelay $0x1  }
0x8a: {  	s1 =	srdreg.scid  }
0x8b: {  	s0 =	sand.u32 $0x1, s1  }
0x8c: {  	s17 =	sshll.u32 s0, $0xA;
	s2 =	sadd.s32 s3, s2  }
0x8d: {  	s2 =	sadd.s32 s2, s17  }
0x8e: {  	[smem:$0x3FC7] =	sst s2  }
0x8f: {  	_ = 	snop  }
0x90: {  	s2 =	sld [smem:$0x3FD0];
	(tm) =	ssettm $0x1  }
0x91: {  	s18 =	sld [smem:$0x3FFB];
	_ =	sdelay $0x3  }
0x92: {  	_ =	strace s18  }
0x93: {  	s3 =	sld [smem:$0x3FFC];
	_ =	sdelay $0x3  }
0x94: {  	_ =	strace s3  }
0x95: {  	s3 =	sld [smem:$0x3FFD];
	_ =	sdelay $0x3  }
0x96: {  	_ =	strace s3  }
0x97: {  	_ =	strace $0x8FFFFFFF  }
0x98: {  	s19 =	sld [smem:$0x3FDB];
	_ =	sdelay $0x1  }
0x99: {  	s4 =	simm.s32 $_scs_section_size  }
0x9a: {  	s5 =	simm.s32 $_size__tile_overlayer_lowered;
	s6 =	simm.s32 $_tile_overlayer_lowered  }
0x9b: {  	s22 =	simm.s32 $0x1BFF;
	s21 =	sshll.u32 s6, $0x1;
	s3 =	sadd.s32 s4, s19  }
0x9c: {  	s7 =	simm.s32 $0x0;
	s20 =	sshll.u32 s5, $0x1;
	s5 =	sadd.s32 s21, s3  }
0x9d: {  	[timem:s7], [sflag:s22] =	dma.local [hbm:s5], s20  }
0x9e: {  	_ =	swait.ge [sflag:s22], s20  }
0x9f: {  	s4 =	ssub.s32 $0x0, s20;
	[sflag:s22] =	ssyncset.done $0x0  }
0xa0: {  	[sflag:s22] =	ssyncadd.s32 s4;
	_ =	sdelay $0x1  }
0xa1: {  	s23 =	simm.s32 $0x1B8B  }
0xa2: {  	_ =	swait.ge [sflag:s23], $0x1  }
0xa3: {  	[sflag:s23] =	ssyncset.done $0x0  }
0xa4: {  	s25 =	simm.s32 $0x1B8E;
	s24 =	sld [smem:$0x3FFE];
	[sflag:s23] =	ssyncadd.s32 $0xFFFFFFFF  }
0xa5: {  	s26 =	simm.s32 $execute0_lowered;
	[smem:$0x3FD2] =	sst s25  }
0xa6: {  	s5 =	sshll.u32 s26, $0x1;
	_ =	strace $0x80000046;
	[dreg:$0x1] =	wrdreg $0xFFFFFFFF  }
0xa7: {  	s28 =	simm.s32 $_size_execute0_lowered;
	s3 =	sadd.s32 s3, s5;
	[dreg:$0x0] =	wrdreg $0x0  }
0xa8: {  	s5 =	sshll.u32 s28, $0x1;
	[dreg:$0x2] =	wrdreg s3  }
0xa9: {  	[dreg:$0x3] =	wrdreg s5  }
0xaa: {  	[dreg:$0x4] =	wrdreg $0xC0  }
0xab: {  	_ =	task [dreg:s7], $0x5FFFF  }
0xac: {  	[dreg:$0x1] =	wrdreg $0xFFFFFFFF  }
0xad: {  	[dreg:$0x0] =	wrdreg $0x60  }
0xae: {  	[dreg:$0x2] =	wrdreg s24  }
0xaf: {  	[dreg:$0x3] =	wrdreg s2  }
0xb0: {  	[dreg:$0x4] =	wrdreg $0x9  }
0xb1: {  	_ =	task.clear_ibuf [dreg:s7], $0x5FFFF;
	_ =	strace $0x90000046  }
0xb2: {  	s29 =	simm.s32 $0x9;
	_ =	strace $0x80000048  }
0xb3: {  	_ =	swait.ge [sflag:s29], $0x1  }
0xb4: {  	[sflag:s29] =	ssyncadd.s32 $0xFFFFFFFF  }
0xb5: {  	_ =	strace $0x90000048  }
0xb6: {  	_ =	sfence  }
0xb7: {  	s30 =	sld [smem:$0x0];
	_ =	sdelay $0x2  }
0xb8: {  	s31 =	sshll.u32 s1, $0xD;
	s1 =	sshrl.u32 s1, $0x2  }
0xb9: {  	s3 =	sand.u32 $0x4000, s31;
	s1 =	sadd.s32 s1, s30  }
0xba: {  	s0 =	sor.u32 s3, s0;
	s1 =	sshll.u32 s1, $0x11  }
0xbb: {  	s0 =	sor.u32 s1, s0  }
0xbc: {  	s0 =	sadd.s32 $0x8F2B, s0  }
0xbd: {  	[sflag:s0] =	ssyncadd.remote.s32 $0x1  }
0xbe: {  	_ =	sfence.sel $0xFFFF  }
0xbf: {  	[dreg:$0x0] =	wrdreg $0xFFFFFFFF;
	(pc) =	sbr.abs _section_cstart, $3  }
0xc0: {  	[dreg:$0x1] =	wrdreg $0xFFFFFFFF  }
0xc1: {  	_ =	task.clear_ibuf [dreg:s7], $0x2FFFF;
	_ =	strace $0x9FFFFFFF  }
0xc2: {  	(tm) =	ssettm $0x7FFFFFFF  }
0xc3: {  	_ =	shalt  }
tec
execute0_lowered:
.L_overlay_start_1:
0x0: {  	(tag) =	ssettag $0x1  }
0x1: {  	s4 =	rddreg [dreg:$0x0];
	s1 =	srdreg.scid  }
0x2: {  	s0 =	stileid.u32;
	s2 =	rddreg [dreg:$0x1]  }
0x3: {  	s3 =	simm.s32 $0x0;
	s8 =	simm.s32 $0x1;
	s9 =	simm.s32 $0x800  }
0x4: {  	s10 =	simm.s32 $0x3;
	s11 =	simm.s32 $0x2;
	s12 =	simm.s32 $0xA800  }
0x5: {  	s13 =	simm.s32 $0x400;
	s5 =	sand.u32 $0x1, s1;
	s6 =	sshll.u32 s0, $0x1  }
.Ltmp0:
0x6: {  	s14 =	simm.s32 $0x0;
	s6 =	sor.u32 s5, s6;
	(pc) =	sbr.rel .LBB2_1-.Ltmp0, $4  }
0x7: {  	s1 =	rddreg [dreg:$0x2];
	s5 =	ssub.s32 $0x2, s5;
	s6 =	smul.u32 $0x4E2, s6  }
0x8: {  	[smem:$0x7FF] =	sst s3;
	s4 =	sadd.s32 $0x400, s4;
	s7 =	sshrl.u32 s5, $0x1  }
0x9: {  	s7 =	ssub.s32 s5, s7;
	s5 =	sshrl.u32 s6, $0x5;
	s6 =	sadd.s32 $0x4E2, s6  }
0xa: {  	v0 =	vimm.f32 $0.0e+00;
	v1 =	vlaneseq.u32;
	v2 =	vimm.f32 $1.000000000e+00;
	_ =	strace $0x80000047;
	s7 =	smax.u32 s7, $0x1;
	s6 =	sshrl.u32 s6, $0x5  }
.LBB2_21:
0xb: {  	s14 =	sadd.s32 $0x1, s14  }
0xc: {  	_ =	swait.ge [sflag:s8], $0xA000;
	p0 =	sne.s32 s14, s7  }
.Ltmp1:
0xd: {  	[sflag:s8] =	ssyncset.done $0x0;
	(pc) =	sbr.rel @!p0 .LBB2_22-.Ltmp1, $4  }
0xe: {  	[sflag:s8] =	ssyncadd.s32 $0xFFFF6000  }
0xf: {  	_ =	swait.ge [sflag:s11], $0xA000  }
0x10: {  	[sflag:s11] =	ssyncset.done $0x0  }
0x11: {  	[sflag:s11] =	ssyncadd.s32 $0xFFFF6000  }
.LBB2_1:
0x12: {  	s15 =	sand.u32 $0x70, s3;
	s16 =	simm.s32 $0x0;
	s17 =	sand.u32 $0x1C00, s3  }
0x13: {  	s18 =	simm.s32 $0x0;
	s16 =	sand.u32 $0xE000, s16;
	s15 =	sor.u32 s17, s15  }
0x14: {  	s31 =	sand.u32 $0x380, s18;
	s15 =	sor.u32 s16, s15  }
0x15: {  	s18 =	sor.u32 s31, s15  }
0x16: {  	s17 =	simm.s32 $0x0;
	s16 =	simm.s32 $0x10;
	s15 =	simm.s32 $0x1;
	[tilespmem:s18+$0xA800] =	vst v0  }
.LBB2_2:
0x17: {  	s19 =	sand.u32 $0x70, s16;
	s20 =	sshll.u32 s15, $0x4  }
0x18: {  	[tilespmem:s18+$0x800] =	vst v0;
	s17 =	sadd.s32 $0x80, s17;
	s18 =	smov.u32 s15;
	p0 =	sne.s32 s15, $0x9FF  }
.Ltmp2:
0x19: {  	s15 =	sadd.s32 $0x1, s15;
	s21 =	sand.u32 $0x1C00, s17;
	(pc) =	sbr.rel @p0 .LBB2_2-.Ltmp2, $4  }
0x1a: {  	s20 =	sand.u32 $0xE000, s20;
	s18 =	sshll.u32 s18, $0x1;
	s19 =	sor.u32 s21, s19  }
0x1b: {  	s18 =	sand.u32 $0x380, s18;
	s19 =	sor.u32 s20, s19  }
0x1c: {  	s18 =	sor.u32 s18, s19  }
0x1d: {  	s16 =	sadd.s32 $0x10, s16;
	[tilespmem:s18+$0xA800] =	vst v0  }
.Ltmp3:
0x1e: {  	(pc) =	sbr.rel .LBB2_4-.Ltmp3, $2  }
0x1f: {  	_ =	sdelay $0x2  }
0x20: {  	[tilespmem:s18+$0x800] =	vst v0;
	s15 =	simm.s32 $0x0  }
.LBB2_20:
0x21: {  	s15 =	sadd.s32 $0x1, s15  }
0x22: {  	p0 =	sne.s32 s15, $0x14  }
.Ltmp4:
0x23: {  	_ = 	snop;
	(pc) =	sbr.rel @!p0 .LBB2_21-.Ltmp4, $1  }
0x24: {  	_ =	sdelay $0x3  }
.LBB2_4:
0x25: {  	s16 =	sshll.u32 s15, $0x1  }
0x26: {  	p0 =	seq.s32 s15, $0x0;
	s17 =	sadd.s32 s5, s16  }
0x27: {  	p1 =	sge.u32 @!p0 s17, s6  }
0x28: {  	p1 =	por p0, p1  }
.Ltmp5:
0x29: {  	_ = 	snop;
	(pc) =	sbr.rel @p1 .LBB2_8-.Ltmp5, $3  }
0x2a: {  	_ =	sdelay $0x1  }
0x2b: {  	s20 =	sadd.s32 $0xFFFFFFFE, s17  }
0x2c: {  	s18 =	smulhi.u32 $0x51EB851F, s20;
	s19 =	sshra.s32 s20, $0x1F  }
0x2d: {  	s21 =	smul.u32 $0x51EB851F, s19;
	_ =	sdelay $0x1  }
0x2e: {  	s21 =	sadd.s32 s21, s18  }
0x2f: {  	s22 =	sshrl.u32 s21, $0x1F;
	s21 =	sshra.s32 s21, $0x3  }
0x30: {  	s21 =	sadd.s32 s22, s21  }
0x31: {  	s21 =	smul.u32 $0x19, s21;
	_ =	sdelay $0x1  }
0x32: {  	s20 =	ssub.s32 s20, s21  }
0x33: {  	p1 =	slt.s32 s20, $0x0;
	s21 =	sadd.s32 $0x19, s20  }
0x34: {  	s20 =	smov.u32 @p1 s21  }
0x35: {  	_ =	swait.ge [sflag:s8], $0xA000;
	s21 =	smul.u32 $0xFFFFFFD8, s20  }
0x36: {  	[sflag:s8] =	ssyncset.done $0x0;
	s20 =	simm.s32 $0x0  }
0x37: {  	[sflag:s8] =	ssyncadd.s32 $0xFFFF6000;
	s22 =	sand.u32 $0x3F0, s20;
	v3 =	vmov s21;
	s21 =	simm.s32 $0x10  }
.LBB2_6:
0x38: {  	p1 =	sne.s32 s21, $0x3F0;
	v4 =	vld [tilespmem:s22+$0x0];
	_ =	sdelay $0x4  }
0x39: {  	v4 =	vadd.s32 v3, v4  }
0x3a: {  	vm0 =	vgt.s32 v4, $0x0  }
0x3b: {  	v6 =	vmov s20;
	v5 =	vnsel vm0, $0x0, v4  }
0x3c: {  	v7 =	vor.u32 s20, v1;
	s20 =	smov.u32 s21;
	v6 =	vshll.u32 v6, $0x3;
	v5 =	vmin.u32 v5, $0x27  }
0x3d: {  	v7 =	vand.u32 $0x7F, v7;
	v6 =	vand.u32 $0x1C00, v6;
	v8 =	vshll.u32 v5, $0xA  }
0x3e: {  	v6 =	vor.u32 v6, v7;
	v5 =	vshll.u32 v5, $0x7;
	v8 =	vand.u32 $0xE000, v8  }
0x3f: {  	vm0 =	vlt.u32 v4, $0x28;
	v4 =	vand.u32 $0x380, v5;
	v5 =	vor.u32 v8, v6  }
0x40: {  	v4 =	vor.u32 v4, v5  }
.Ltmp6:
0x41: {  	(pc) =	sbr.rel @p1 .LBB2_6-.Ltmp6, $2  }
0x42: {  	_ =	sdelay $0x2  }
0x43: {  	s21 =	sadd.s32 $0x10, s21;
	s22 =	sand.u32 $0x3F0, s20;
	[tilespmem:v4+s9+$0x0] =	vst.idx.msk vm0, v0  }
0x44: {  	v4 =	vld [tilespmem:s22+$0x0];
	_ =	sdelay $0x4  }
0x45: {  	v3 =	vadd.s32 v3, v4  }
0x46: {  	vm0 =	vgt.s32 v3, $0x0  }
0x47: {  	v5 =	vmov s20;
	v4 =	vnsel vm0, $0x0, v3  }
0x48: {  	v6 =	vor.u32 s20, v1;
	v5 =	vshll.u32 v5, $0x3;
	v4 =	vmin.u32 v4, $0x27  }
0x49: {  	v6 =	vand.u32 $0x7F, v6;
	v5 =	vand.u32 $0x1C00, v5;
	v7 =	vshll.u32 v4, $0xA  }
0x4a: {  	v5 =	vor.u32 v5, v6;
	v4 =	vshll.u32 v4, $0x7;
	v7 =	vand.u32 $0xE000, v7  }
0x4b: {  	vm15 =	vlt.u32 v3, $0x28;
	v3 =	vand.u32 $0x380, v4;
	v63 =	vor.u32 v7, v5  }
0x4c: {  	v3 =	vor.u32 v3, v63;
	_ =	sdelay $0x4  }
0x4d: {  	[tilespmem:v3+s9+$0x0] =	vst.idx.msk vm15, v0  }
.LBB2_8:
0x4e: {  	p1 =	sge.u32 s17, s6  }
.Ltmp7:
0x4f: {  	_ = 	snop;
	(pc) =	sbr.rel @p1 .LBB2_12-.Ltmp7, $1  }
0x50: {  	_ =	sdelay $0x3  }
0x51: {  	s19 =	smul.u32 $0x51EB851F, s19;
	_ =	sdelay $0x1  }
0x52: {  	s18 =	sadd.s32 s19, s18  }
0x53: {  	s19 =	sshrl.u32 s18, $0x1F;
	s18 =	sshra.s32 s18, $0x3  }
0x54: {  	s19 =	sadd.s32 s19, s18  }
0x55: {  	s18 =	smul.u32 $0xFFFFFFE7, s19  }
0x56: {  	s20 =	ssub.s32 $0x2, s17  }
0x57: {  	p1 =	slt.u32 s17, $0x3;
	p2 =	sne.s32 s18, s20  }
0x58: {  	p1 =	por !p1, !p2  }
0x59: {  	s30 =	smulhi.u32 $0x51EB851F, s17;
	s20 =	simm.s32 $0x1;
	p1 =	por !p1, !p1  }
0x5a: {  	s20 =	simm.s32 @!p1 $0x0  }
0x5b: {  	s18 =	sshrl.u32 s30, $0x3;
	s19 =	ssub.s32 s19, s20  }
0x5c: {  	p1 =	seq.s32 @!p0 s18, s19  }
0x5d: {  	p1 =	por p0, !p1  }
0x5e: {  	s19 =	sshll.u32 @p1 s18, $0x7;
	s18 =	smul.u32 $0x19, s18  }
0x5f: {  	s19 =	sand.u32 @p1 $0x1FFFFF80, s19  }
0x60: {  	s19 =	sadd.s32 @p1 s4, s19;
	s18 =	ssub.s32 s17, s18  }
0x61: {  	[tilespmem:s3], [sflag:$0x3] =	stream.linear.gather @p1 [hbm4b:s19+s3], $0x400, $0x38;
	[tilespmem:$0x14800] =	vst v63  }
0x62: {  	s31 =	smul.u32 $0xFFFFFFD8, s18;
	_ =	swait.ge @p1 [sflag:s10], $0x400  }
0x63: {  	s18 =	simm.s32 $0x0;
	[sflag:s10] =	ssyncset.done @p1 $0x0  }
0x64: {  	s19 =	simm.s32 $0x10;
	s20 =	sand.u32 $0x3F0, s18;
	v3 =	vmov s31;
	[sflag:s10] =	ssyncadd.s32 @p1 $0xFFFFFC00  }
.LBB2_10:
0x65: {  	p1 =	sne.s32 s19, $0x3F0;
	v4 =	vld [tilespmem:s20+$0x0];
	_ =	sdelay $0x4  }
0x66: {  	v4 =	vadd.s32 v3, v4  }
0x67: {  	vm0 =	vgt.s32 v4, $0x0  }
0x68: {  	v6 =	vmov s18;
	v5 =	vnsel vm0, $0x0, v4  }
0x69: {  	v7 =	vor.u32 s18, v1;
	s18 =	smov.u32 s19;
	v6 =	vshll.u32 v6, $0x3;
	v5 =	vmin.u32 v5, $0x27  }
0x6a: {  	v7 =	vand.u32 $0x7F, v7;
	v6 =	vand.u32 $0x1C00, v6;
	v8 =	vshll.u32 v5, $0xA  }
0x6b: {  	v6 =	vor.u32 v6, v7;
	v5 =	vshll.u32 v5, $0x7;
	v8 =	vand.u32 $0xE000, v8  }
0x6c: {  	vm0 =	vlt.u32 v4, $0x28;
	v4 =	vand.u32 $0x380, v5;
	v5 =	vor.u32 v8, v6  }
0x6d: {  	v4 =	vor.u32 v4, v5  }
.Ltmp8:
0x6e: {  	(pc) =	sbr.rel @p1 .LBB2_10-.Ltmp8, $2  }
0x6f: {  	_ =	sdelay $0x2  }
0x70: {  	s19 =	sadd.s32 $0x10, s19;
	s20 =	sand.u32 $0x3F0, s18;
	[tilespmem:v4+s9+$0x0] =	vst.idx.msk vm0, v2  }
0x71: {  	v4 =	vld [tilespmem:s20+$0x0];
	_ =	sdelay $0x4  }
0x72: {  	v3 =	vadd.s32 v3, v4  }
0x73: {  	vm0 =	vgt.s32 v3, $0x0  }
0x74: {  	v5 =	vmov s18;
	v4 =	vnsel vm0, $0x0, v3  }
0x75: {  	v6 =	vor.u32 s18, v1;
	v5 =	vshll.u32 v5, $0x3;
	v4 =	vmin.u32 v4, $0x27  }
0x76: {  	v6 =	vand.u32 $0x7F, v6;
	v5 =	vand.u32 $0x1C00, v5;
	v7 =	vshll.u32 v4, $0xA  }
0x77: {  	v5 =	vor.u32 v5, v6;
	v4 =	vshll.u32 v4, $0x7;
	v7 =	vand.u32 $0xE000, v7  }
0x78: {  	vm15 =	vlt.u32 v3, $0x28;
	v3 =	vand.u32 $0x380, v4;
	v63 =	vor.u32 v7, v5  }
0x79: {  	v3 =	vor.u32 v3, v63;
	_ =	sdelay $0x1  }
0x7a: {  	s17 =	smul.u32 $0xA000, s17;
	_ =	sdelay $0x1  }
0x7b: {  	s17 =	sshrl.u32 s17, $0x3  }
0x7c: {  	s17 =	sadd.s32 s2, s17;
	[tilespmem:v3+s9+$0x0] =	vst.idx.msk vm15, v2  }
0x7d: {  	[hbm4b:s17+s3] =	stream.linear.scatter [tilespmem:s9], [sflag:$0x1], $0xA000, $0x38;
	[tilespmem:$0x14800] =	vst v63  }
.LBB2_12:
0x7e: {  	s17 =	sadd.s32 s16, s5  }
0x7f: {  	s16 =	sadd.s32 $0x1, s17  }
0x80: {  	p1 =	sge.u32 @!p0 s16, s6  }
0x81: {  	p1 =	por p0, p1  }
.Ltmp9:
0x82: {  	_ = 	snop;
	(pc) =	sbr.rel @p1 .LBB2_16-.Ltmp9, $3  }
0x83: {  	_ =	sdelay $0x1  }
0x84: {  	s19 =	sadd.s32 $0xFFFFFFFF, s17  }
0x85: {  	s17 =	smulhi.u32 $0x51EB851F, s19;
	s18 =	sshra.s32 s19, $0x1F  }
0x86: {  	s20 =	smul.u32 $0x51EB851F, s18;
	_ =	sdelay $0x1  }
0x87: {  	s20 =	sadd.s32 s20, s17  }
0x88: {  	s21 =	sshrl.u32 s20, $0x1F;
	s20 =	sshra.s32 s20, $0x3  }
0x89: {  	s20 =	sadd.s32 s21, s20  }
0x8a: {  	s20 =	smul.u32 $0x19, s20;
	_ =	sdelay $0x1  }
0x8b: {  	s19 =	ssub.s32 s19, s20  }
0x8c: {  	p1 =	slt.s32 s19, $0x0;
	s20 =	sadd.s32 $0x19, s19  }
0x8d: {  	s19 =	smov.u32 @p1 s20  }
0x8e: {  	_ =	swait.ge [sflag:s11], $0xA000;
	s20 =	smul.u32 $0xFFFFFFD8, s19  }
0x8f: {  	[sflag:s11] =	ssyncset.done $0x0;
	s19 =	simm.s32 $0x0  }
0x90: {  	[sflag:s11] =	ssyncadd.s32 $0xFFFF6000;
	s21 =	sand.u32 $0x3F0, s19;
	v3 =	vmov s20;
	s20 =	simm.s32 $0x10  }
.LBB2_14:
0x91: {  	p1 =	sne.s32 s20, $0x3F0;
	v4 =	vld [tilespmem:s21+$0x400];
	_ =	sdelay $0x4  }
0x92: {  	v4 =	vadd.s32 v3, v4  }
0x93: {  	vm0 =	vgt.s32 v4, $0x0  }
0x94: {  	v6 =	vmov s19;
	v5 =	vnsel vm0, $0x0, v4  }
0x95: {  	v7 =	vor.u32 s19, v1;
	s19 =	smov.u32 s20;
	v6 =	vshll.u32 v6, $0x3;
	v5 =	vmin.u32 v5, $0x27  }
0x96: {  	v7 =	vand.u32 $0x7F, v7;
	v6 =	vand.u32 $0x1C00, v6;
	v8 =	vshll.u32 v5, $0xA  }
0x97: {  	v6 =	vor.u32 v6, v7;
	v5 =	vshll.u32 v5, $0x7;
	v8 =	vand.u32 $0xE000, v8  }
0x98: {  	vm0 =	vlt.u32 v4, $0x28;
	v4 =	vand.u32 $0x380, v5;
	v5 =	vor.u32 v8, v6  }
0x99: {  	v4 =	vor.u32 v4, v5  }
.Ltmp10:
0x9a: {  	(pc) =	sbr.rel @p1 .LBB2_14-.Ltmp10, $2  }
0x9b: {  	_ =	sdelay $0x2  }
0x9c: {  	s20 =	sadd.s32 $0x10, s20;
	s21 =	sand.u32 $0x3F0, s19;
	[tilespmem:v4+s12+$0x0] =	vst.idx.msk vm0, v0  }
0x9d: {  	v4 =	vld [tilespmem:s21+$0x400];
	_ =	sdelay $0x4  }
0x9e: {  	v3 =	vadd.s32 v3, v4  }
0x9f: {  	vm0 =	vgt.s32 v3, $0x0  }
0xa0: {  	v5 =	vmov s19;
	v4 =	vnsel vm0, $0x0, v3  }
0xa1: {  	v6 =	vor.u32 s19, v1;
	v5 =	vshll.u32 v5, $0x3;
	v4 =	vmin.u32 v4, $0x27  }
0xa2: {  	v6 =	vand.u32 $0x7F, v6;
	v5 =	vand.u32 $0x1C00, v5;
	v7 =	vshll.u32 v4, $0xA  }
0xa3: {  	v5 =	vor.u32 v5, v6;
	v4 =	vshll.u32 v4, $0x7;
	v7 =	vand.u32 $0xE000, v7  }
0xa4: {  	vm15 =	vlt.u32 v3, $0x28;
	v3 =	vand.u32 $0x380, v4;
	v63 =	vor.u32 v7, v5  }
0xa5: {  	v3 =	vor.u32 v3, v63;
	_ =	sdelay $0x4  }
0xa6: {  	[tilespmem:v3+s12+$0x0] =	vst.idx.msk vm15, v0  }
.LBB2_16:
0xa7: {  	p1 =	sge.u32 s16, s6  }
.Ltmp11:
0xa8: {  	_ = 	snop;
	(pc) =	sbr.rel @p1 .LBB2_20-.Ltmp11, $1  }
0xa9: {  	_ =	sdelay $0x3  }
0xaa: {  	s18 =	smul.u32 $0x51EB851F, s18;
	_ =	sdelay $0x1  }
0xab: {  	s17 =	sadd.s32 s18, s17  }
0xac: {  	s18 =	sshrl.u32 s17, $0x1F;
	s17 =	sshra.s32 s17, $0x3  }
0xad: {  	s18 =	sadd.s32 s18, s17  }
0xae: {  	s17 =	smul.u32 $0xFFFFFFE7, s18  }
0xaf: {  	s19 =	ssub.s32 $0x2, s16  }
0xb0: {  	p1 =	slt.u32 s16, $0x3;
	p2 =	sne.s32 s17, s19  }
0xb1: {  	p1 =	por !p1, !p2  }
0xb2: {  	s30 =	smulhi.u32 $0x51EB851F, s16;
	s19 =	simm.s32 $0x1;
	p1 =	por !p1, !p1  }
0xb3: {  	s19 =	simm.s32 @!p1 $0x0  }
0xb4: {  	s17 =	sshrl.u32 s30, $0x3;
	s18 =	ssub.s32 s18, s19  }
0xb5: {  	p1 =	seq.s32 @!p0 s17, s18  }
0xb6: {  	p0 =	por p0, !p1  }
0xb7: {  	s18 =	sshll.u32 @p0 s17, $0x7;
	s17 =	smul.u32 $0x19, s17  }
0xb8: {  	s18 =	sand.u32 @p0 $0x1FFFFF80, s18  }
0xb9: {  	s18 =	sadd.s32 @p0 s4, s18;
	s17 =	ssub.s32 s16, s17  }
0xba: {  	[tilespmem:s13], [sflag:$0x3] =	stream.linear.gather @p0 [hbm4b:s18+s3], $0x400, $0x38;
	[tilespmem:$0x14800] =	vst v63  }
0xbb: {  	s31 =	smul.u32 $0xFFFFFFD8, s17;
	_ =	swait.ge @p0 [sflag:s10], $0x400  }
0xbc: {  	s17 =	simm.s32 $0x0;
	[sflag:s10] =	ssyncset.done @p0 $0x0  }
0xbd: {  	s18 =	simm.s32 $0x10;
	s19 =	sand.u32 $0x3F0, s17;
	v3 =	vmov s31;
	[sflag:s10] =	ssyncadd.s32 @p0 $0xFFFFFC00  }
.LBB2_18:
0xbe: {  	p0 =	sne.s32 s18, $0x3F0;
	v4 =	vld [tilespmem:s19+$0x400];
	_ =	sdelay $0x4  }
0xbf: {  	v4 =	vadd.s32 v3, v4  }
0xc0: {  	vm0 =	vgt.s32 v4, $0x0  }
0xc1: {  	v6 =	vmov s17;
	v5 =	vnsel vm0, $0x0, v4  }
0xc2: {  	v7 =	vor.u32 s17, v1;
	s17 =	smov.u32 s18;
	v6 =	vshll.u32 v6, $0x3;
	v5 =	vmin.u32 v5, $0x27  }
0xc3: {  	v7 =	vand.u32 $0x7F, v7;
	v6 =	vand.u32 $0x1C00, v6;
	v8 =	vshll.u32 v5, $0xA  }
0xc4: {  	v6 =	vor.u32 v6, v7;
	v5 =	vshll.u32 v5, $0x7;
	v8 =	vand.u32 $0xE000, v8  }
0xc5: {  	vm0 =	vlt.u32 v4, $0x28;
	v4 =	vand.u32 $0x380, v5;
	v5 =	vor.u32 v8, v6  }
0xc6: {  	v4 =	vor.u32 v4, v5  }
.Ltmp12:
0xc7: {  	(pc) =	sbr.rel @p0 .LBB2_18-.Ltmp12, $2  }
0xc8: {  	_ =	sdelay $0x2  }
0xc9: {  	s18 =	sadd.s32 $0x10, s18;
	s19 =	sand.u32 $0x3F0, s17;
	[tilespmem:v4+s12+$0x0] =	vst.idx.msk vm0, v2  }
0xca: {  	v4 =	vld [tilespmem:s19+$0x400];
	_ =	sdelay $0x4  }
0xcb: {  	v3 =	vadd.s32 v3, v4  }
0xcc: {  	vm0 =	vgt.s32 v3, $0x0  }
0xcd: {  	v5 =	vmov s17;
	v4 =	vnsel vm0, $0x0, v3  }
0xce: {  	v6 =	vor.u32 s17, v1;
	v5 =	vshll.u32 v5, $0x3;
	v4 =	vmin.u32 v4, $0x27  }
0xcf: {  	v6 =	vand.u32 $0x7F, v6;
	v5 =	vand.u32 $0x1C00, v5;
	v7 =	vshll.u32 v4, $0xA  }
0xd0: {  	v5 =	vor.u32 v5, v6;
	v4 =	vshll.u32 v4, $0x7;
	v7 =	vand.u32 $0xE000, v7  }
0xd1: {  	vm15 =	vlt.u32 v3, $0x28;
	v3 =	vand.u32 $0x380, v4;
	v63 =	vor.u32 v7, v5  }
0xd2: {  	v3 =	vor.u32 v3, v63  }
0xd3: {  	s16 =	smul.u32 $0xA000, s16  }
.Ltmp13:
0xd4: {  	_ = 	snop;
	(pc) =	sbr.rel .LBB2_20-.Ltmp13, $4  }
0xd5: {  	_ = 	snop  }
0xd6: {  	s16 =	sshrl.u32 s16, $0x3  }
0xd7: {  	s16 =	sadd.s32 s2, s16;
	[tilespmem:v3+s12+$0x0] =	vst.idx.msk vm15, v2  }
0xd8: {  	[hbm4b:s16+s3] =	stream.linear.scatter [tilespmem:s12], [sflag:$0x2], $0xA000, $0x38;
	[tilespmem:$0x14800] =	vst v63  }
.LBB2_22:
0xd9: {  	_ =	sfence.sel $0x180000  }
0xda: {  	[bflag:$0x0] =	sbarrier.arrive $0xFFFF  }
0xdb: {  	p0 =	sne.s32 s0, $0x0;
	_ =	strace $0x90000047  }
0xdc: {  	s0 =	sadd.s32 @!p0 $0x100000, s1;
	[bflag:$0x2] =	sbarrier.arrive $0xFFFF  }
0xdd: {  	[sflag:s0] =	ssyncadd.tile.s32 @!p0 $0x1;
	_ =	shalt  }
.Lfunc_end2:
_tile_overlayer_lowered:
.L_overlay_start_2:
0xde: {  	(tag) =	ssettag $0x2  }
0xdf: {  	s0 =	rddreg [dreg:$0x0];
	s2 =	stileid.u32  }
0xe0: {  	s1 =	rddreg [dreg:$0x1];
	p0 =	sne.s32 s2, $0x0  }
0xe1: {  	s3 =	rddreg [dreg:$0x2];
	[bflag:$0x3] =	sbarrier.arrive $0xFFFF;
	s2 =	simm.s32 @!p0 $0x1C03  }
0xe2: {  	[timem:s3], [sflag:s2] =	dma.local @!p0 [hbm:s0], s1  }
0xe3: {  	s0 =	simm.s32 @!p0 $0x3  }
0xe4: {  	_ =	swait.ge @!p0 [sflag:s0], s1  }
0xe5: {  	s1 =	ssub.s32 @!p0 $0x0, s1;
	[sflag:s0] =	ssyncset.done @!p0 $0x0  }
0xe6: {  	[sflag:s0] =	ssyncadd.s32 @!p0 s1  }
0xe7: {  	[bflag:$0x3] =	sbarrier.arrive $0xFFFF  }
0xe8: {  	_ =	shalt  }

</sc_bundles>
